<compile_context>
chip_gen: v7x
topology: tpu7x:2x2x1
jax: 0.10.2.dev20260603
libtpu: 0.0.44.dev20260713+nightly
codegen_flags: <defaults>
</compile_context>

<pallas_src>
import functools

import jax
import jax.numpy as jnp
from jax import lax
from jax.experimental import pallas as pl
from jax.experimental.pallas import tpu as pltpu
from jax.experimental.pallas import tpu_sc as plsc

NB = 2048
L = 16
NC = 2
NS = 16
NW = NC * NS
STR = NB + 1
HSZ = -(-(L * STR + 1) // 128) * 128
BIG = 1 << 30


def _lane_off(shape):
    return (lax.broadcasted_iota(jnp.int32, shape, 1) % L) * STR


def _prep_body(x_ref, t_ref, loss_ref, addr_ref):
    x = x_ref[...]
    t = t_ref[...]
    loss_ref[...] = (jnp.maximum(x, 0.0) - x * t
                     + jnp.log1p(jnp.exp(-jnp.abs(x))))
    u = jnp.abs(jax.nn.sigmoid(x) - t) * jnp.float32(NB)
    raw = u.astype(jnp.int32)
    idx = jnp.where(raw < NB, raw, NB)
    addr_ref[...] = idx + _lane_off(raw.shape)


def _prep(x2d, t2d, rows_blk):
    rows = x2d.shape[0]
    spec = pl.BlockSpec((rows_blk, 128), lambda i: (i, 0))
    return pl.pallas_call(
        _prep_body,
        grid=(rows // rows_blk,),
        in_specs=[spec, spec],
        out_specs=[spec, spec],
        out_shape=[jax.ShapeDtypeStruct((rows, 128), jnp.float32),
                   jax.ShapeDtypeStruct((rows, 128), jnp.int32)],
    )(x2d, t2d)


def _sc_hist(addr_flat, ch):
    mesh = plsc.VectorSubcoreMesh(core_axis_name="c", subcore_axis_name="s",
                                  num_cores=NC, num_subcores=NS)
    n_vec = ch // L
    UZ = 8
    US = 31

    @functools.partial(
        pl.kernel,
        out_type=jax.ShapeDtypeStruct((NW, NB), jnp.float32),
        mesh=mesh,
        compiler_params=pltpu.CompilerParams(needs_layout_passes=False),
        scratch_types=[
            pltpu.VMEM((ch,), jnp.int32),
            pltpu.VMEM((HSZ,), jnp.float32),
            pltpu.VMEM((NB,), jnp.float32),
            pltpu.SemaphoreType.DMA,
        ],
    )
    def _k(addr_hbm, out_hbm, av, hist, red, sem):
        wid = lax.axis_index("s") * NC + lax.axis_index("c")
        cp = pltpu.async_copy(addr_hbm.at[pl.ds(wid * ch, ch)], av, sem)

        zeros = jnp.zeros((L,), jnp.float32)

        def _zero(j, carry):
            for z in range(UZ):
                hist[pl.ds((j * UZ + z) * L, L)] = zeros
            return carry

        lax.fori_loop(0, HSZ // (L * UZ), _zero, None)
        cp.wait()

        ones = jnp.ones((L,), jnp.float32)

        def _scan(i, carry):
            for z in range(US):
                plsc.addupdate_scatter(hist, [av[pl.ds((i * US + z) * L, L)]],
                                       ones)
            return carry

        lax.fori_loop(0, n_vec // US, _scan, None)

        def _lanered(j, carry):
            acc = hist[pl.ds(j * L, L)]
            for lane in range(1, L):
                acc = acc + hist[pl.ds(lane * STR + j * L, L)]
            red[pl.ds(j * L, L)] = acc
            return carry

        lax.fori_loop(0, NB // L, _lanered, None)
        pltpu.sync_copy(red, out_hbm.at[wid])

    return _k(addr_flat)


def _flat_cumsum(c):
    r = c.shape[0]
    ri = lax.broadcasted_iota(jnp.int32, (128, 128), 0)
    ci = lax.broadcasted_iota(jnp.int32, (128, 128), 1)
    tri128 = (ri <= ci).astype(jnp.float32)
    rr = lax.broadcasted_iota(jnp.int32, (r, r), 0)
    cc = lax.broadcasted_iota(jnp.int32, (r, r), 1)
    lower = (cc < rr).astype(jnp.float32)
    ccs = jax.lax.dot_general(c, tri128, (((1,), (0,)), ((), ())),
                              preferred_element_type=jnp.float32)
    rowtot = ccs[:, 127:128]
    excl = jax.lax.dot_general(lower, rowtot, (((1,), (0,)), ((), ())),
                               preferred_element_type=jnp.float32)
    return excl + ccs


def _final_body(k, loss_ref, addr_ref, cnt_ref, out_ref, acc):
    i = pl.program_id(0)
    n = pl.num_programs(0)
    kf = jnp.float32(k)
    hr = NB // 128

    @pl.when(i == 0)
    def _init():
        c = jnp.sum(cnt_ref[...], axis=0)
        tot = _flat_cumsum(c)
        fi = (lax.broadcasted_iota(jnp.int32, (hr, 128), 0) * 128
              + lax.broadcasted_iota(jnp.int32, (hr, 128), 1))
        p = jnp.min(jnp.where(tot >= kf, fi, BIG))
        acc[0] = p.astype(jnp.float32)
        acc[1] = jnp.sum(jnp.where(fi < p, c, 0.0))
        acc[2] = jnp.sum(jnp.where(fi == p, c, 0.0))
        acc[3] = 0.0
        acc[4] = 0.0

    loss = loss_ref[...]
    idx = addr_ref[...] - _lane_off(loss.shape)
    p_i = acc[0].astype(jnp.int32)
    acc[3] = acc[3] + jnp.sum(jnp.where(idx < p_i, loss, 0.0))
    acc[4] = acc[4] + jnp.sum(jnp.where(idx == p_i, loss, 0.0))

    @pl.when(i == n - 1)
    def _fin():
        r = kf - acc[1]
        mean = (acc[3] + r * acc[4] / acc[2]) / kf
        out_ref[...] = jnp.full((8, 128), mean, jnp.float32)


def _final(loss2d, addr2d, cnt3d, k, rows_blk):
    rows = loss2d.shape[0]
    dspec = pl.BlockSpec((rows_blk, 128), lambda i: (i, 0))
    return pl.pallas_call(
        functools.partial(_final_body, k),
        grid=(rows // rows_blk,),
        in_specs=[dspec, dspec,
                  pl.BlockSpec((NW, NB // 128, 128), lambda i: (0, 0, 0))],
        out_specs=pl.BlockSpec((8, 128), lambda i: (0, 0)),
        out_shape=jax.ShapeDtypeStruct((8, 128), jnp.float32),
        scratch_shapes=[pltpu.SMEM((8,), jnp.float32)],
    )(loss2d, addr2d, cnt3d)


def kernel(logits, targets, batchs):
    if targets.ndim == 2:
        t_idx = jnp.argmax(targets, axis=1)
        targets = (t_idx != 0).astype(jnp.float32)
    if logits.ndim == 2:
        logits = jnp.squeeze(logits, -1)

    B = logits.size
    k = max(1, int(0.8 * B))

    ch = -(-B // (NW * 512)) * 512
    BP = ch * NW
    pad = BP - B
    logits_p = jnp.concatenate([logits, jnp.zeros((pad,), jnp.float32)])
    targets_p = jnp.concatenate([targets, jnp.full((pad,), 3.0, jnp.float32)])

    rows = BP // 128
    rows_blk = rows // 8 if rows % 8 == 0 else rows
    x2d = logits_p.reshape(rows, 128)
    t2d = targets_p.reshape(rows, 128)

    loss2d, addr2d = _prep(x2d, t2d, rows_blk)
    cnt = _sc_hist(addr2d.reshape(BP), ch)
    out = _final(loss2d, addr2d, cnt.reshape(NW, NB // 128, 128), k,
                 rows_blk)
    return out[0, 0]

# --- scband reference (transcript-rebuilt; emitter-appended) ---
"""Pipeline reference for scband-prlbceloss-15951508537902 (READ-ONLY COPY).

The authoritative reference and input builder live on the scoring server;
editing this copy changes nothing except your own understanding.
"""

import jax, jax.numpy as jnp
import numpy as np

KEEP_RATIO = 0.8


def setup_inputs(seed: int = 0) -> dict:
    key = jax.random.key(seed)
    k1, k2 = jax.random.split(key)
    B = 1000000
    logits = jax.random.normal(k1, (B,), dtype=jnp.float32)
    targets = jax.random.uniform(k2, (B,), dtype=jnp.float32)
    return {"logits": logits, "targets": targets, "batchs": 0}


def reference(logits, targets, batchs):
    # Faithful translation of PRLBCELoss.forward
    if targets.ndim == 2:
        t_idx = jnp.argmax(targets, axis=1)
        targets = (t_idx != 0).astype(jnp.float32)
    if logits.ndim == 2:
        logits = jnp.squeeze(logits, -1)
    # BCEWithLogitsLoss(reduction='none'):
    # loss = max(x, 0) - x*t + log(1 + exp(-|x|))
    losses = jnp.maximum(logits, 0.0) - logits * targets + jnp.log1p(jnp.exp(-jnp.abs(logits)))
    probs = jax.nn.sigmoid(logits)
    grad_norms = jnp.abs(probs - targets)
    B = logits.size
    k = max(1, int(KEEP_RATIO * B))
    # torch.topk(..., largest=False) -> smallest-k via top_k of negated values
    _, idx = jax.lax.top_k(-grad_norms, k)
    return jnp.take(losses, idx, axis=0).mean()

if __name__ == "__main__":
    import jax
    _d = setup_inputs()
    print(jax.jit(kernel)(*tuple(_d.values())))

</pallas_src>

<mosaic_0001>
#map = affine_map<(d0, d1) -> (0)>
#map1 = affine_map<(d0, d1) -> (0, 0)>
module attributes {stable_mosaic.version = 14 : i64} {
  func.func @_k(%arg0: i32, %arg1: i32, %arg2: memref<1015808xi32, #tpu.memory_space<hbm>>, %arg3: memref<32x2048xf32, #tpu.memory_space<hbm>>, %arg4: memref<31744xi32, #tpu.memory_space<vmem>>, %arg5: memref<32896xf32, #tpu.memory_space<vmem>>, %arg6: memref<2048xf32, #tpu.memory_space<vmem>>, %arg7: memref<!tpu.dma_semaphore, #tpu.memory_space<semaphore_mem>>) attributes {dimension_semantics = [#tpu.dimension_semantics<core_parallel>, #tpu.dimension_semantics<subcore_parallel>], iteration_bounds = array<i64: 2, 16>, scalar_prefetch = 0 : i64, scratch_operands = 4 : i64, tpu.core_type = #tpu.core_type<sc_vector_subcore>, window_params = [{transform_indices = #map}, {transform_indices = #map1}]} {
    %mul3A = arith.constant 2 : i32
    %mul3A_0 = arith.muli %arg1, %mul3A : i32
    %add3A = arith.addi %mul3A_0, %arg0 : i32
    %mul3A_1 = arith.constant 31744 : i32
    %mul3A_2 = arith.muli %add3A, %mul3A_1 : i32
    %dma_start3A = tpu.memref_slice %arg2[%mul3A_2] : memref<1015808xi32, #tpu.memory_space<hbm>> -> memref<31744xi32, #tpu.memory_space<hbm>>
    %dma_start3A_3 = tpu.memref_slice %arg2[%mul3A_2] : memref<1015808xi32, #tpu.memory_space<hbm>> -> memref<31744xi32, #tpu.memory_space<hbm>>
    tpu.enqueue_dma source(%dma_start3A_3 : memref<31744xi32, #tpu.memory_space<hbm>>) target(%arg4 : memref<31744xi32, #tpu.memory_space<vmem>>) target_semaphore(%arg7 : memref<!tpu.dma_semaphore, #tpu.memory_space<semaphore_mem>>)
    %broadcast_in_dim3A = arith.constant 0.000000e+00 : f32
    %broadcast_in_dim3A_4 = vector.broadcast %broadcast_in_dim3A : f32 to vector<16xf32>
    %scan3A = arith.constant 0 : i32
    %scan3A_5 = arith.constant 257 : i32
    %scan3A_6 = arith.addi %scan3A, %scan3A_5 : i32
    %scan3A_7 = arith.constant 1 : i32
    scf.for %scan3A_22 = %scan3A to %scan3A_6 step %scan3A_7  : i32 {
      %mul3A_23 = arith.constant 8 : i32
      %mul3A_24 = arith.muli %scan3A_22, %mul3A_23 : i32
      %add3A_25 = arith.constant 0 : i32
      %add3A_26 = arith.addi %mul3A_24, %add3A_25 : i32
      %mul3A_27 = arith.constant 16 : i32
      %mul3A_28 = arith.muli %add3A_26, %mul3A_27 : i32
      %swap3A = arith.index_cast %mul3A_28 : i32 to index
      %swap3A_29 = tpu.vector_load %arg5[%swap3A] {strides = array<i32>} : memref<32896xf32, #tpu.memory_space<vmem>>, vector<16xf32>,
      tpu.vector_store %arg5[%swap3A], %broadcast_in_dim3A_4 {strides = array<i32>} : memref<32896xf32, #tpu.memory_space<vmem>>, vector<16xf32>,
      %mul3A_30 = arith.constant 8 : i32
      %mul3A_31 = arith.muli %scan3A_22, %mul3A_30 : i32
      %add3A_32 = arith.constant 1 : i32
      %add3A_33 = arith.addi %mul3A_31, %add3A_32 : i32
      %mul3A_34 = arith.constant 16 : i32
      %mul3A_35 = arith.muli %add3A_33, %mul3A_34 : i32
      %swap3A_36 = arith.index_cast %mul3A_35 : i32 to index
      %swap3A_37 = tpu.vector_load %arg5[%swap3A_36] {strides = array<i32>} : memref<32896xf32, #tpu.memory_space<vmem>>, vector<16xf32>,
      tpu.vector_store %arg5[%swap3A_36], %broadcast_in_dim3A_4 {strides = array<i32>} : memref<32896xf32, #tpu.memory_space<vmem>>, vector<16xf32>,
      %mul3A_38 = arith.constant 8 : i32
      %mul3A_39 = arith.muli %scan3A_22, %mul3A_38 : i32
      %add3A_40 = arith.constant 2 : i32
      %add3A_41 = arith.addi %mul3A_39, %add3A_40 : i32
      %mul3A_42 = arith.constant 16 : i32
      %mul3A_43 = arith.muli %add3A_41, %mul3A_42 : i32
      %swap3A_44 = arith.index_cast %mul3A_43 : i32 to index
      %swap3A_45 = tpu.vector_load %arg5[%swap3A_44] {strides = array<i32>} : memref<32896xf32, #tpu.memory_space<vmem>>, vector<16xf32>,
      tpu.vector_store %arg5[%swap3A_44], %broadcast_in_dim3A_4 {strides = array<i32>} : memref<32896xf32, #tpu.memory_space<vmem>>, vector<16xf32>,
      %mul3A_46 = arith.constant 8 : i32
      %mul3A_47 = arith.muli %scan3A_22, %mul3A_46 : i32
      %add3A_48 = arith.constant 3 : i32
      %add3A_49 = arith.addi %mul3A_47, %add3A_48 : i32
      %mul3A_50 = arith.constant 16 : i32
      %mul3A_51 = arith.muli %add3A_49, %mul3A_50 : i32
      %swap3A_52 = arith.index_cast %mul3A_51 : i32 to index
      %swap3A_53 = tpu.vector_load %arg5[%swap3A_52] {strides = array<i32>} : memref<32896xf32, #tpu.memory_space<vmem>>, vector<16xf32>,
      tpu.vector_store %arg5[%swap3A_52], %broadcast_in_dim3A_4 {strides = array<i32>} : memref<32896xf32, #tpu.memory_space<vmem>>, vector<16xf32>,
      %mul3A_54 = arith.constant 8 : i32
      %mul3A_55 = arith.muli %scan3A_22, %mul3A_54 : i32
      %add3A_56 = arith.constant 4 : i32
      %add3A_57 = arith.addi %mul3A_55, %add3A_56 : i32
      %mul3A_58 = arith.constant 16 : i32
      %mul3A_59 = arith.muli %add3A_57, %mul3A_58 : i32
      %swap3A_60 = arith.index_cast %mul3A_59 : i32 to index
      %swap3A_61 = tpu.vector_load %arg5[%swap3A_60] {strides = array<i32>} : memref<32896xf32, #tpu.memory_space<vmem>>, vector<16xf32>,
      tpu.vector_store %arg5[%swap3A_60], %broadcast_in_dim3A_4 {strides = array<i32>} : memref<32896xf32, #tpu.memory_space<vmem>>, vector<16xf32>,
      %mul3A_62 = arith.constant 8 : i32
      %mul3A_63 = arith.muli %scan3A_22, %mul3A_62 : i32
      %add3A_64 = arith.constant 5 : i32
      %add3A_65 = arith.addi %mul3A_63, %add3A_64 : i32
      %mul3A_66 = arith.constant 16 : i32
      %mul3A_67 = arith.muli %add3A_65, %mul3A_66 : i32
      %swap3A_68 = arith.index_cast %mul3A_67 : i32 to index
      %swap3A_69 = tpu.vector_load %arg5[%swap3A_68] {strides = array<i32>} : memref<32896xf32, #tpu.memory_space<vmem>>, vector<16xf32>,
      tpu.vector_store %arg5[%swap3A_68], %broadcast_in_dim3A_4 {strides = array<i32>} : memref<32896xf32, #tpu.memory_space<vmem>>, vector<16xf32>,
      %mul3A_70 = arith.constant 8 : i32
      %mul3A_71 = arith.muli %scan3A_22, %mul3A_70 : i32
      %add3A_72 = arith.constant 6 : i32
      %add3A_73 = arith.addi %mul3A_71, %add3A_72 : i32
      %mul3A_74 = arith.constant 16 : i32
      %mul3A_75 = arith.muli %add3A_73, %mul3A_74 : i32
      %swap3A_76 = arith.index_cast %mul3A_75 : i32 to index
      %swap3A_77 = tpu.vector_load %arg5[%swap3A_76] {strides = array<i32>} : memref<32896xf32, #tpu.memory_space<vmem>>, vector<16xf32>,
      tpu.vector_store %arg5[%swap3A_76], %broadcast_in_dim3A_4 {strides = array<i32>} : memref<32896xf32, #tpu.memory_space<vmem>>, vector<16xf32>,
      %mul3A_78 = arith.constant 8 : i32
      %mul3A_79 = arith.muli %scan3A_22, %mul3A_78 : i32
      %add3A_80 = arith.constant 7 : i32
      %add3A_81 = arith.addi %mul3A_79, %add3A_80 : i32
      %mul3A_82 = arith.constant 16 : i32
      %mul3A_83 = arith.muli %add3A_81, %mul3A_82 : i32
      %swap3A_84 = arith.index_cast %mul3A_83 : i32 to index
      %swap3A_85 = tpu.vector_load %arg5[%swap3A_84] {strides = array<i32>} : memref<32896xf32, #tpu.memory_space<vmem>>, vector<16xf32>,
      tpu.vector_store %arg5[%swap3A_84], %broadcast_in_dim3A_4 {strides = array<i32>} : memref<32896xf32, #tpu.memory_space<vmem>>, vector<16xf32>,
    }
    %scan3A_8 = arith.constant 257 : i32
    %dma_wait3A = tpu.memref_slice %arg2[%mul3A_2] : memref<1015808xi32, #tpu.memory_space<hbm>> -> memref<31744xi32, #tpu.memory_space<hbm>>
    %dma_wait3A_9 = tpu.memref_slice %arg2[%mul3A_2] : memref<1015808xi32, #tpu.memory_space<hbm>> -> memref<31744xi32, #tpu.memory_space<hbm>>
    tpu.wait_dma2 semaphore(%arg7 : memref<!tpu.dma_semaphore, #tpu.memory_space<semaphore_mem>>) src(%dma_wait3A_9 : memref<31744xi32, #tpu.memory_space<hbm>>) dst(%arg4 : memref<31744xi32, #tpu.memory_space<vmem>>)
    %broadcast_in_dim3A_10 = arith.constant 1.000000e+00 : f32
    %broadcast_in_dim3A_11 = vector.broadcast %broadcast_in_dim3A_10 : f32 to vector<16xf32>
    %scan3A_12 = arith.constant 0 : i32
    %scan3A_13 = arith.constant 64 : i32
    %scan3A_14 = arith.addi %scan3A_12, %scan3A_13 : i32
    %scan3A_15 = arith.constant 1 : i32
    scf.for %scan3A_22 = %scan3A_12 to %scan3A_14 step %scan3A_15  : i32 {
      %mul3A_23 = arith.constant 31 : i32
      %mul3A_24 = arith.muli %scan3A_22, %mul3A_23 : i32
      %add3A_25 = arith.constant 0 : i32
      %add3A_26 = arith.addi %mul3A_24, %add3A_25 : i32
      %mul3A_27 = arith.constant 16 : i32
      %mul3A_28 = arith.muli %add3A_26, %mul3A_27 : i32
      %get3A = arith.index_cast %mul3A_28 : i32 to index
      %get3A_29 = tpu.vector_load %arg4[%get3A] {strides = array<i32>} : memref<31744xi32, #tpu.memory_space<vmem>>, vector<16xi32>,
      tpu.vector_store_idx %arg5[%get3A_29], %broadcast_in_dim3A_11 {add = true} : memref<32896xf32, #tpu.memory_space<vmem>>[vector<16xi32>], vector<16xf32>,
      %mul3A_30 = arith.constant 31 : i32
      %mul3A_31 = arith.muli %scan3A_22, %mul3A_30 : i32
      %add3A_32 = arith.constant 1 : i32
      %add3A_33 = arith.addi %mul3A_31, %add3A_32 : i32
      %mul3A_34 = arith.constant 16 : i32
      %mul3A_35 = arith.muli %add3A_33, %mul3A_34 : i32
      %get3A_36 = arith.index_cast %mul3A_35 : i32 to index
      %get3A_37 = tpu.vector_load %arg4[%get3A_36] {strides = array<i32>} : memref<31744xi32, #tpu.memory_space<vmem>>, vector<16xi32>,
      tpu.vector_store_idx %arg5[%get3A_37], %broadcast_in_dim3A_11 {add = true} : memref<32896xf32, #tpu.memory_space<vmem>>[vector<16xi32>], vector<16xf32>,
      %mul3A_38 = arith.constant 31 : i32
      %mul3A_39 = arith.muli %scan3A_22, %mul3A_38 : i32
      %add3A_40 = arith.constant 2 : i32
      %add3A_41 = arith.addi %mul3A_39, %add3A_40 : i32
      %mul3A_42 = arith.constant 16 : i32
      %mul3A_43 = arith.muli %add3A_41, %mul3A_42 : i32
      %get3A_44 = arith.index_cast %mul3A_43 : i32 to index
      %get3A_45 = tpu.vector_load %arg4[%get3A_44] {strides = array<i32>} : memref<31744xi32, #tpu.memory_space<vmem>>, vector<16xi32>,
      tpu.vector_store_idx %arg5[%get3A_45], %broadcast_in_dim3A_11 {add = true} : memref<32896xf32, #tpu.memory_space<vmem>>[vector<16xi32>], vector<16xf32>,
      %mul3A_46 = arith.constant 31 : i32
      %mul3A_47 = arith.muli %scan3A_22, %mul3A_46 : i32
      %add3A_48 = arith.constant 3 : i32
      %add3A_49 = arith.addi %mul3A_47, %add3A_48 : i32
      %mul3A_50 = arith.constant 16 : i32
      %mul3A_51 = arith.muli %add3A_49, %mul3A_50 : i32
      %get3A_52 = arith.index_cast %mul3A_51 : i32 to index
      %get3A_53 = tpu.vector_load %arg4[%get3A_52] {strides = array<i32>} : memref<31744xi32, #tpu.memory_space<vmem>>, vector<16xi32>,
      tpu.vector_store_idx %arg5[%get3A_53], %broadcast_in_dim3A_11 {add = true} : memref<32896xf32, #tpu.memory_space<vmem>>[vector<16xi32>], vector<16xf32>,
      %mul3A_54 = arith.constant 31 : i32
      %mul3A_55 = arith.muli %scan3A_22, %mul3A_54 : i32
      %add3A_56 = arith.constant 4 : i32
      %add3A_57 = arith.addi %mul3A_55, %add3A_56 : i32
      %mul3A_58 = arith.constant 16 : i32
      %mul3A_59 = arith.muli %add3A_57, %mul3A_58 : i32
      %get3A_60 = arith.index_cast %mul3A_59 : i32 to index
      %get3A_61 = tpu.vector_load %arg4[%get3A_60] {strides = array<i32>} : memref<31744xi32, #tpu.memory_space<vmem>>, vector<16xi32>,
      tpu.vector_store_idx %arg5[%get3A_61], %broadcast_in_dim3A_11 {add = true} : memref<32896xf32, #tpu.memory_space<vmem>>[vector<16xi32>], vector<16xf32>,
      %mul3A_62 = arith.constant 31 : i32
      %mul3A_63 = arith.muli %scan3A_22, %mul3A_62 : i32
      %add3A_64 = arith.constant 5 : i32
      %add3A_65 = arith.addi %mul3A_63, %add3A_64 : i32
      %mul3A_66 = arith.constant 16 : i32
      %mul3A_67 = arith.muli %add3A_65, %mul3A_66 : i32
      %get3A_68 = arith.index_cast %mul3A_67 : i32 to index
      %get3A_69 = tpu.vector_load %arg4[%get3A_68] {strides = array<i32>} : memref<31744xi32, #tpu.memory_space<vmem>>, vector<16xi32>,
      tpu.vector_store_idx %arg5[%get3A_69], %broadcast_in_dim3A_11 {add = true} : memref<32896xf32, #tpu.memory_space<vmem>>[vector<16xi32>], vector<16xf32>,
      %mul3A_70 = arith.constant 31 : i32
      %mul3A_71 = arith.muli %scan3A_22, %mul3A_70 : i32
      %add3A_72 = arith.constant 6 : i32
      %add3A_73 = arith.addi %mul3A_71, %add3A_72 : i32
      %mul3A_74 = arith.constant 16 : i32
      %mul3A_75 = arith.muli %add3A_73, %mul3A_74 : i32
      %get3A_76 = arith.index_cast %mul3A_75 : i32 to index
      %get3A_77 = tpu.vector_load %arg4[%get3A_76] {strides = array<i32>} : memref<31744xi32, #tpu.memory_space<vmem>>, vector<16xi32>,
      tpu.vector_store_idx %arg5[%get3A_77], %broadcast_in_dim3A_11 {add = true} : memref<32896xf32, #tpu.memory_space<vmem>>[vector<16xi32>], vector<16xf32>,
      %mul3A_78 = arith.constant 31 : i32
      %mul3A_79 = arith.muli %scan3A_22, %mul3A_78 : i32
      %add3A_80 = arith.constant 7 : i32
      %add3A_81 = arith.addi %mul3A_79, %add3A_80 : i32
      %mul3A_82 = arith.constant 16 : i32
      %mul3A_83 = arith.muli %add3A_81, %mul3A_82 : i32
      %get3A_84 = arith.index_cast %mul3A_83 : i32 to index
      %get3A_85 = tpu.vector_load %arg4[%get3A_84] {strides = array<i32>} : memref<31744xi32, #tpu.memory_space<vmem>>, vector<16xi32>,
      tpu.vector_store_idx %arg5[%get3A_85], %broadcast_in_dim3A_11 {add = true} : memref<32896xf32, #tpu.memory_space<vmem>>[vector<16xi32>], vector<16xf32>,
      %mul3A_86 = arith.constant 31 : i32
      %mul3A_87 = arith.muli %scan3A_22, %mul3A_86 : i32
      %add3A_88 = arith.constant 8 : i32
      %add3A_89 = arith.addi %mul3A_87, %add3A_88 : i32
      %mul3A_90 = arith.constant 16 : i32
      %mul3A_91 = arith.muli %add3A_89, %mul3A_90 : i32
      %get3A_92 = arith.index_cast %mul3A_91 : i32 to index
      %get3A_93 = tpu.vector_load %arg4[%get3A_92] {strides = array<i32>} : memref<31744xi32, #tpu.memory_space<vmem>>, vector<16xi32>,
      tpu.vector_store_idx %arg5[%get3A_93], %broadcast_in_dim3A_11 {add = true} : memref<32896xf32, #tpu.memory_space<vmem>>[vector<16xi32>], vector<16xf32>,
      %mul3A_94 = arith.constant 31 : i32
      %mul3A_95 = arith.muli %scan3A_22, %mul3A_94 : i32
      %add3A_96 = arith.constant 9 : i32
      %add3A_97 = arith.addi %mul3A_95, %add3A_96 : i32
      %mul3A_98 = arith.constant 16 : i32
      %mul3A_99 = arith.muli %add3A_97, %mul3A_98 : i32
      %get3A_100 = arith.index_cast %mul3A_99 : i32 to index
      %get3A_101 = tpu.vector_load %arg4[%get3A_100] {strides = array<i32>} : memref<31744xi32, #tpu.memory_space<vmem>>, vector<16xi32>,
      tpu.vector_store_idx %arg5[%get3A_101], %broadcast_in_dim3A_11 {add = true} : memref<32896xf32, #tpu.memory_space<vmem>>[vector<16xi32>], vector<16xf32>,
      %mul3A_102 = arith.constant 31 : i32
      %mul3A_103 = arith.muli %scan3A_22, %mul3A_102 : i32
      %add3A_104 = arith.constant 10 : i32
      %add3A_105 = arith.addi %mul3A_103, %add3A_104 : i32
      %mul3A_106 = arith.constant 16 : i32
      %mul3A_107 = arith.muli %add3A_105, %mul3A_106 : i32
      %get3A_108 = arith.index_cast %mul3A_107 : i32 to index
      %get3A_109 = tpu.vector_load %arg4[%get3A_108] {strides = array<i32>} : memref<31744xi32, #tpu.memory_space<vmem>>, vector<16xi32>,
      tpu.vector_store_idx %arg5[%get3A_109], %broadcast_in_dim3A_11 {add = true} : memref<32896xf32, #tpu.memory_space<vmem>>[vector<16xi32>], vector<16xf32>,
      %mul3A_110 = arith.constant 31 : i32
      %mul3A_111 = arith.muli %scan3A_22, %mul3A_110 : i32
      %add3A_112 = arith.constant 11 : i32
      %add3A_113 = arith.addi %mul3A_111, %add3A_112 : i32
      %mul3A_114 = arith.constant 16 : i32
      %mul3A_115 = arith.muli %add3A_113, %mul3A_114 : i32
      %get3A_116 = arith.index_cast %mul3A_115 : i32 to index
      %get3A_117 = tpu.vector_load %arg4[%get3A_116] {strides = array<i32>} : memref<31744xi32, #tpu.memory_space<vmem>>, vector<16xi32>,
      tpu.vector_store_idx %arg5[%get3A_117], %broadcast_in_dim3A_11 {add = true} : memref<32896xf32, #tpu.memory_space<vmem>>[vector<16xi32>], vector<16xf32>,
      %mul3A_118 = arith.constant 31 : i32
      %mul3A_119 = arith.muli %scan3A_22, %mul3A_118 : i32
      %add3A_120 = arith.constant 12 : i32
      %add3A_121 = arith.addi %mul3A_119, %add3A_120 : i32
      %mul3A_122 = arith.constant 16 : i32
      %mul3A_123 = arith.muli %add3A_121, %mul3A_122 : i32
      %get3A_124 = arith.index_cast %mul3A_123 : i32 to index
      %get3A_125 = tpu.vector_load %arg4[%get3A_124] {strides = array<i32>} : memref<31744xi32, #tpu.memory_space<vmem>>, vector<16xi32>,
      tpu.vector_store_idx %arg5[%get3A_125], %broadcast_in_dim3A_11 {add = true} : memref<32896xf32, #tpu.memory_space<vmem>>[vector<16xi32>], vector<16xf32>,
      %mul3A_126 = arith.constant 31 : i32
      %mul3A_127 = arith.muli %scan3A_22, %mul3A_126 : i32
      %add3A_128 = arith.constant 13 : i32
      %add3A_129 = arith.addi %mul3A_127, %add3A_128 : i32
      %mul3A_130 = arith.constant 16 : i32
      %mul3A_131 = arith.muli %add3A_129, %mul3A_130 : i32
      %get3A_132 = arith.index_cast %mul3A_131 : i32 to index
      %get3A_133 = tpu.vector_load %arg4[%get3A_132] {strides = array<i32>} : memref<31744xi32, #tpu.memory_space<vmem>>, vector<16xi32>,
      tpu.vector_store_idx %arg5[%get3A_133], %broadcast_in_dim3A_11 {add = true} : memref<32896xf32, #tpu.memory_space<vmem>>[vector<16xi32>], vector<16xf32>,
      %mul3A_134 = arith.constant 31 : i32
      %mul3A_135 = arith.muli %scan3A_22, %mul3A_134 : i32
      %add3A_136 = arith.constant 14 : i32
      %add3A_137 = arith.addi %mul3A_135, %add3A_136 : i32
      %mul3A_138 = arith.constant 16 : i32
      %mul3A_139 = arith.muli %add3A_137, %mul3A_138 : i32
      %get3A_140 = arith.index_cast %mul3A_139 : i32 to index
      %get3A_141 = tpu.vector_load %arg4[%get3A_140] {strides = array<i32>} : memref<31744xi32, #tpu.memory_space<vmem>>, vector<16xi32>,
      tpu.vector_store_idx %arg5[%get3A_141], %broadcast_in_dim3A_11 {add = true} : memref<32896xf32, #tpu.memory_space<vmem>>[vector<16xi32>], vector<16xf32>,
      %mul3A_142 = arith.constant 31 : i32
      %mul3A_143 = arith.muli %scan3A_22, %mul3A_142 : i32
      %add3A_144 = arith.constant 15 : i32
      %add3A_145 = arith.addi %mul3A_143, %add3A_144 : i32
      %mul3A_146 = arith.constant 16 : i32
      %mul3A_147 = arith.muli %add3A_145, %mul3A_146 : i32
      %get3A_148 = arith.index_cast %mul3A_147 : i32 to index
      %get3A_149 = tpu.vector_load %arg4[%get3A_148] {strides = array<i32>} : memref<31744xi32, #tpu.memory_space<vmem>>, vector<16xi32>,
      tpu.vector_store_idx %arg5[%get3A_149], %broadcast_in_dim3A_11 {add = true} : memref<32896xf32, #tpu.memory_space<vmem>>[vector<16xi32>], vector<16xf32>,
      %mul3A_150 = arith.constant 31 : i32
      %mul3A_151 = arith.muli %scan3A_22, %mul3A_150 : i32
      %add3A_152 = arith.constant 16 : i32
      %add3A_153 = arith.addi %mul3A_151, %add3A_152 : i32
      %mul3A_154 = arith.constant 16 : i32
      %mul3A_155 = arith.muli %add3A_153, %mul3A_154 : i32
      %get3A_156 = arith.index_cast %mul3A_155 : i32 to index
      %get3A_157 = tpu.vector_load %arg4[%get3A_156] {strides = array<i32>} : memref<31744xi32, #tpu.memory_space<vmem>>, vector<16xi32>,
      tpu.vector_store_idx %arg5[%get3A_157], %broadcast_in_dim3A_11 {add = true} : memref<32896xf32, #tpu.memory_space<vmem>>[vector<16xi32>], vector<16xf32>,
      %mul3A_158 = arith.constant 31 : i32
      %mul3A_159 = arith.muli %scan3A_22, %mul3A_158 : i32
      %add3A_160 = arith.constant 17 : i32
      %add3A_161 = arith.addi %mul3A_159, %add3A_160 : i32
      %mul3A_162 = arith.constant 16 : i32
      %mul3A_163 = arith.muli %add3A_161, %mul3A_162 : i32
      %get3A_164 = arith.index_cast %mul3A_163 : i32 to index
      %get3A_165 = tpu.vector_load %arg4[%get3A_164] {strides = array<i32>} : memref<31744xi32, #tpu.memory_space<vmem>>, vector<16xi32>,
      tpu.vector_store_idx %arg5[%get3A_165], %broadcast_in_dim3A_11 {add = true} : memref<32896xf32, #tpu.memory_space<vmem>>[vector<16xi32>], vector<16xf32>,
      %mul3A_166 = arith.constant 31 : i32
      %mul3A_167 = arith.muli %scan3A_22, %mul3A_166 : i32
      %add3A_168 = arith.constant 18 : i32
      %add3A_169 = arith.addi %mul3A_167, %add3A_168 : i32
      %mul3A_170 = arith.constant 16 : i32
      %mul3A_171 = arith.muli %add3A_169, %mul3A_170 : i32
      %get3A_172 = arith.index_cast %mul3A_171 : i32 to index
      %get3A_173 = tpu.vector_load %arg4[%get3A_172] {strides = array<i32>} : memref<31744xi32, #tpu.memory_space<vmem>>, vector<16xi32>,
      tpu.vector_store_idx %arg5[%get3A_173], %broadcast_in_dim3A_11 {add = true} : memref<32896xf32, #tpu.memory_space<vmem>>[vector<16xi32>], vector<16xf32>,
      %mul3A_174 = arith.constant 31 : i32
      %mul3A_175 = arith.muli %scan3A_22, %mul3A_174 : i32
      %add3A_176 = arith.constant 19 : i32
      %add3A_177 = arith.addi %mul3A_175, %add3A_176 : i32
      %mul3A_178 = arith.constant 16 : i32
      %mul3A_179 = arith.muli %add3A_177, %mul3A_178 : i32
      %get3A_180 = arith.index_cast %mul3A_179 : i32 to index
      %get3A_181 = tpu.vector_load %arg4[%get3A_180] {strides = array<i32>} : memref<31744xi32, #tpu.memory_space<vmem>>, vector<16xi32>,
      tpu.vector_store_idx %arg5[%get3A_181], %broadcast_in_dim3A_11 {add = true} : memref<32896xf32, #tpu.memory_space<vmem>>[vector<16xi32>], vector<16xf32>,
      %mul3A_182 = arith.constant 31 : i32
      %mul3A_183 = arith.muli %scan3A_22, %mul3A_182 : i32
      %add3A_184 = arith.constant 20 : i32
      %add3A_185 = arith.addi %mul3A_183, %add3A_184 : i32
      %mul3A_186 = arith.constant 16 : i32
      %mul3A_187 = arith.muli %add3A_185, %mul3A_186 : i32
      %get3A_188 = arith.index_cast %mul3A_187 : i32 to index
      %get3A_189 = tpu.vector_load %arg4[%get3A_188] {strides = array<i32>} : memref<31744xi32, #tpu.memory_space<vmem>>, vector<16xi32>,
      tpu.vector_store_idx %arg5[%get3A_189], %broadcast_in_dim3A_11 {add = true} : memref<32896xf32, #tpu.memory_space<vmem>>[vector<16xi32>], vector<16xf32>,
      %mul3A_190 = arith.constant 31 : i32
      %mul3A_191 = arith.muli %scan3A_22, %mul3A_190 : i32
      %add3A_192 = arith.constant 21 : i32
      %add3A_193 = arith.addi %mul3A_191, %add3A_192 : i32
      %mul3A_194 = arith.constant 16 : i32
      %mul3A_195 = arith.muli %add3A_193, %mul3A_194 : i32
      %get3A_196 = arith.index_cast %mul3A_195 : i32 to index
      %get3A_197 = tpu.vector_load %arg4[%get3A_196] {strides = array<i32>} : memref<31744xi32, #tpu.memory_space<vmem>>, vector<16xi32>,
      tpu.vector_store_idx %arg5[%get3A_197], %broadcast_in_dim3A_11 {add = true} : memref<32896xf32, #tpu.memory_space<vmem>>[vector<16xi32>], vector<16xf32>,
      %mul3A_198 = arith.constant 31 : i32
      %mul3A_199 = arith.muli %scan3A_22, %mul3A_198 : i32
      %add3A_200 = arith.constant 22 : i32
      %add3A_201 = arith.addi %mul3A_199, %add3A_200 : i32
      %mul3A_202 = arith.constant 16 : i32
      %mul3A_203 = arith.muli %add3A_201, %mul3A_202 : i32
      %get3A_204 = arith.index_cast %mul3A_203 : i32 to index
      %get3A_205 = tpu.vector_load %arg4[%get3A_204] {strides = array<i32>} : memref<31744xi32, #tpu.memory_space<vmem>>, vector<16xi32>,
      tpu.vector_store_idx %arg5[%get3A_205], %broadcast_in_dim3A_11 {add = true} : memref<32896xf32, #tpu.memory_space<vmem>>[vector<16xi32>], vector<16xf32>,
      %mul3A_206 = arith.constant 31 : i32
      %mul3A_207 = arith.muli %scan3A_22, %mul3A_206 : i32
      %add3A_208 = arith.constant 23 : i32
      %add3A_209 = arith.addi %mul3A_207, %add3A_208 : i32
      %mul3A_210 = arith.constant 16 : i32
      %mul3A_211 = arith.muli %add3A_209, %mul3A_210 : i32
      %get3A_212 = arith.index_cast %mul3A_211 : i32 to index
      %get3A_213 = tpu.vector_load %arg4[%get3A_212] {strides = array<i32>} : memref<31744xi32, #tpu.memory_space<vmem>>, vector<16xi32>,
      tpu.vector_store_idx %arg5[%get3A_213], %broadcast_in_dim3A_11 {add = true} : memref<32896xf32, #tpu.memory_space<vmem>>[vector<16xi32>], vector<16xf32>,
      %mul3A_214 = arith.constant 31 : i32
      %mul3A_215 = arith.muli %scan3A_22, %mul3A_214 : i32
      %add3A_216 = arith.constant 24 : i32
      %add3A_217 = arith.addi %mul3A_215, %add3A_216 : i32
      %mul3A_218 = arith.constant 16 : i32
      %mul3A_219 = arith.muli %add3A_217, %mul3A_218 : i32
      %get3A_220 = arith.index_cast %mul3A_219 : i32 to index
      %get3A_221 = tpu.vector_load %arg4[%get3A_220] {strides = array<i32>} : memref<31744xi32, #tpu.memory_space<vmem>>, vector<16xi32>,
      tpu.vector_store_idx %arg5[%get3A_221], %broadcast_in_dim3A_11 {add = true} : memref<32896xf32, #tpu.memory_space<vmem>>[vector<16xi32>], vector<16xf32>,
      %mul3A_222 = arith.constant 31 : i32
      %mul3A_223 = arith.muli %scan3A_22, %mul3A_222 : i32
      %add3A_224 = arith.constant 25 : i32
      %add3A_225 = arith.addi %mul3A_223, %add3A_224 : i32
      %mul3A_226 = arith.constant 16 : i32
      %mul3A_227 = arith.muli %add3A_225, %mul3A_226 : i32
      %get3A_228 = arith.index_cast %mul3A_227 : i32 to index
      %get3A_229 = tpu.vector_load %arg4[%get3A_228] {strides = array<i32>} : memref<31744xi32, #tpu.memory_space<vmem>>, vector<16xi32>,
      tpu.vector_store_idx %arg5[%get3A_229], %broadcast_in_dim3A_11 {add = true} : memref<32896xf32, #tpu.memory_space<vmem>>[vector<16xi32>], vector<16xf32>,
      %mul3A_230 = arith.constant 31 : i32
      %mul3A_231 = arith.muli %scan3A_22, %mul3A_230 : i32
      %add3A_232 = arith.constant 26 : i32
      %add3A_233 = arith.addi %mul3A_231, %add3A_232 : i32
      %mul3A_234 = arith.constant 16 : i32
      %mul3A_235 = arith.muli %add3A_233, %mul3A_234 : i32
      %get3A_236 = arith.index_cast %mul3A_235 : i32 to index
      %get3A_237 = tpu.vector_load %arg4[%get3A_236] {strides = array<i32>} : memref<31744xi32, #tpu.memory_space<vmem>>, vector<16xi32>,
      tpu.vector_store_idx %arg5[%get3A_237], %broadcast_in_dim3A_11 {add = true} : memref<32896xf32, #tpu.memory_space<vmem>>[vector<16xi32>], vector<16xf32>,
      %mul3A_238 = arith.constant 31 : i32
      %mul3A_239 = arith.muli %scan3A_22, %mul3A_238 : i32
      %add3A_240 = arith.constant 27 : i32
      %add3A_241 = arith.addi %mul3A_239, %add3A_240 : i32
      %mul3A_242 = arith.constant 16 : i32
      %mul3A_243 = arith.muli %add3A_241, %mul3A_242 : i32
      %get3A_244 = arith.index_cast %mul3A_243 : i32 to index
      %get3A_245 = tpu.vector_load %arg4[%get3A_244] {strides = array<i32>} : memref<31744xi32, #tpu.memory_space<vmem>>, vector<16xi32>,
      tpu.vector_store_idx %arg5[%get3A_245], %broadcast_in_dim3A_11 {add = true} : memref<32896xf32, #tpu.memory_space<vmem>>[vector<16xi32>], vector<16xf32>,
      %mul3A_246 = arith.constant 31 : i32
      %mul3A_247 = arith.muli %scan3A_22, %mul3A_246 : i32
      %add3A_248 = arith.constant 28 : i32
      %add3A_249 = arith.addi %mul3A_247, %add3A_248 : i32
      %mul3A_250 = arith.constant 16 : i32
      %mul3A_251 = arith.muli %add3A_249, %mul3A_250 : i32
      %get3A_252 = arith.index_cast %mul3A_251 : i32 to index
      %get3A_253 = tpu.vector_load %arg4[%get3A_252] {strides = array<i32>} : memref<31744xi32, #tpu.memory_space<vmem>>, vector<16xi32>,
      tpu.vector_store_idx %arg5[%get3A_253], %broadcast_in_dim3A_11 {add = true} : memref<32896xf32, #tpu.memory_space<vmem>>[vector<16xi32>], vector<16xf32>,
      %mul3A_254 = arith.constant 31 : i32
      %mul3A_255 = arith.muli %scan3A_22, %mul3A_254 : i32
      %add3A_256 = arith.constant 29 : i32
      %add3A_257 = arith.addi %mul3A_255, %add3A_256 : i32
      %mul3A_258 = arith.constant 16 : i32
      %mul3A_259 = arith.muli %add3A_257, %mul3A_258 : i32
      %get3A_260 = arith.index_cast %mul3A_259 : i32 to index
      %get3A_261 = tpu.vector_load %arg4[%get3A_260] {strides = array<i32>} : memref<31744xi32, #tpu.memory_space<vmem>>, vector<16xi32>,
      tpu.vector_store_idx %arg5[%get3A_261], %broadcast_in_dim3A_11 {add = true} : memref<32896xf32, #tpu.memory_space<vmem>>[vector<16xi32>], vector<16xf32>,
      %mul3A_262 = arith.constant 31 : i32
      %mul3A_263 = arith.muli %scan3A_22, %mul3A_262 : i32
      %add3A_264 = arith.constant 30 : i32
      %add3A_265 = arith.addi %mul3A_263, %add3A_264 : i32
      %mul3A_266 = arith.constant 16 : i32
      %mul3A_267 = arith.muli %add3A_265, %mul3A_266 : i32
      %get3A_268 = arith.index_cast %mul3A_267 : i32 to index
      %get3A_269 = tpu.vector_load %arg4[%get3A_268] {strides = array<i32>} : memref<31744xi32, #tpu.memory_space<vmem>>, vector<16xi32>,
      tpu.vector_store_idx %arg5[%get3A_269], %broadcast_in_dim3A_11 {add = true} : memref<32896xf32, #tpu.memory_space<vmem>>[vector<16xi32>], vector<16xf32>,
    }
    %scan3A_16 = arith.constant 64 : i32
    %scan3A_17 = arith.constant 0 : i32
    %scan3A_18 = arith.constant 128 : i32
    %scan3A_19 = arith.addi %scan3A_17, %scan3A_18 : i32
    %scan3A_20 = arith.constant 1 : i32
    scf.for %scan3A_22 = %scan3A_17 to %scan3A_19 step %scan3A_20  : i32 {
      %mul3A_23 = arith.constant 16 : i32
      %mul3A_24 = arith.muli %scan3A_22, %mul3A_23 : i32
      %get3A = arith.index_cast %mul3A_24 : i32 to index
      %get3A_25 = tpu.vector_load %arg5[%get3A] {strides = array<i32>} : memref<32896xf32, #tpu.memory_space<vmem>>, vector<16xf32>,
      %mul3A_26 = arith.constant 16 : i32
      %mul3A_27 = arith.muli %scan3A_22, %mul3A_26 : i32
      %add3A_28 = arith.constant 2049 : i32
      %add3A_29 = arith.addi %add3A_28, %mul3A_27 : i32
      %get3A_30 = arith.index_cast %add3A_29 : i32 to index
      %get3A_31 = tpu.vector_load %arg5[%get3A_30] {strides = array<i32>} : memref<32896xf32, #tpu.memory_space<vmem>>, vector<16xf32>,
      %add3A_32 = arith.addf %get3A_25, %get3A_31 : vector<16xf32>
      %mul3A_33 = arith.constant 16 : i32
      %mul3A_34 = arith.muli %scan3A_22, %mul3A_33 : i32
      %add3A_35 = arith.constant 4098 : i32
      %add3A_36 = arith.addi %add3A_35, %mul3A_34 : i32
      %get3A_37 = arith.index_cast %add3A_36 : i32 to index
      %get3A_38 = tpu.vector_load %arg5[%get3A_37] {strides = array<i32>} : memref<32896xf32, #tpu.memory_space<vmem>>, vector<16xf32>,
      %add3A_39 = arith.addf %add3A_32, %get3A_38 : vector<16xf32>
      %mul3A_40 = arith.constant 16 : i32
      %mul3A_41 = arith.muli %scan3A_22, %mul3A_40 : i32
      %add3A_42 = arith.constant 6147 : i32
      %add3A_43 = arith.addi %add3A_42, %mul3A_41 : i32
      %get3A_44 = arith.index_cast %add3A_43 : i32 to index
      %get3A_45 = tpu.vector_load %arg5[%get3A_44] {strides = array<i32>} : memref<32896xf32, #tpu.memory_space<vmem>>, vector<16xf32>,
      %add3A_46 = arith.addf %add3A_39, %get3A_45 : vector<16xf32>
      %mul3A_47 = arith.constant 16 : i32
      %mul3A_48 = arith.muli %scan3A_22, %mul3A_47 : i32
      %add3A_49 = arith.constant 8196 : i32
      %add3A_50 = arith.addi %add3A_49, %mul3A_48 : i32
      %get3A_51 = arith.index_cast %add3A_50 : i32 to index
      %get3A_52 = tpu.vector_load %arg5[%get3A_51] {strides = array<i32>} : memref<32896xf32, #tpu.memory_space<vmem>>, vector<16xf32>,
      %add3A_53 = arith.addf %add3A_46, %get3A_52 : vector<16xf32>
      %mul3A_54 = arith.constant 16 : i32
      %mul3A_55 = arith.muli %scan3A_22, %mul3A_54 : i32
      %add3A_56 = arith.constant 10245 : i32
      %add3A_57 = arith.addi %add3A_56, %mul3A_55 : i32
      %get3A_58 = arith.index_cast %add3A_57 : i32 to index
      %get3A_59 = tpu.vector_load %arg5[%get3A_58] {strides = array<i32>} : memref<32896xf32, #tpu.memory_space<vmem>>, vector<16xf32>,
      %add3A_60 = arith.addf %add3A_53, %get3A_59 : vector<16xf32>
      %mul3A_61 = arith.constant 16 : i32
      %mul3A_62 = arith.muli %scan3A_22, %mul3A_61 : i32
      %add3A_63 = arith.constant 12294 : i32
      %add3A_64 = arith.addi %add3A_63, %mul3A_62 : i32
      %get3A_65 = arith.index_cast %add3A_64 : i32 to index
      %get3A_66 = tpu.vector_load %arg5[%get3A_65] {strides = array<i32>} : memref<32896xf32, #tpu.memory_space<vmem>>, vector<16xf32>,
      %add3A_67 = arith.addf %add3A_60, %get3A_66 : vector<16xf32>
      %mul3A_68 = arith.constant 16 : i32
      %mul3A_69 = arith.muli %scan3A_22, %mul3A_68 : i32
      %add3A_70 = arith.constant 14343 : i32
      %add3A_71 = arith.addi %add3A_70, %mul3A_69 : i32
      %get3A_72 = arith.index_cast %add3A_71 : i32 to index
      %get3A_73 = tpu.vector_load %arg5[%get3A_72] {strides = array<i32>} : memref<32896xf32, #tpu.memory_space<vmem>>, vector<16xf32>,
      %add3A_74 = arith.addf %add3A_67, %get3A_73 : vector<16xf32>
      %mul3A_75 = arith.constant 16 : i32
      %mul3A_76 = arith.muli %scan3A_22, %mul3A_75 : i32
      %add3A_77 = arith.constant 16392 : i32
      %add3A_78 = arith.addi %add3A_77, %mul3A_76 : i32
      %get3A_79 = arith.index_cast %add3A_78 : i32 to index
      %get3A_80 = tpu.vector_load %arg5[%get3A_79] {strides = array<i32>} : memref<32896xf32, #tpu.memory_space<vmem>>, vector<16xf32>,
      %add3A_81 = arith.addf %add3A_74, %get3A_80 : vector<16xf32>
      %mul3A_82 = arith.constant 16 : i32
      %mul3A_83 = arith.muli %scan3A_22, %mul3A_82 : i32
      %add3A_84 = arith.constant 18441 : i32
      %add3A_85 = arith.addi %add3A_84, %mul3A_83 : i32
      %get3A_86 = arith.index_cast %add3A_85 : i32 to index
      %get3A_87 = tpu.vector_load %arg5[%get3A_86] {strides = array<i32>} : memref<32896xf32, #tpu.memory_space<vmem>>, vector<16xf32>,
      %add3A_88 = arith.addf %add3A_81, %get3A_87 : vector<16xf32>
      %mul3A_89 = arith.constant 16 : i32
      %mul3A_90 = arith.muli %scan3A_22, %mul3A_89 : i32
      %add3A_91 = arith.constant 20490 : i32
      %add3A_92 = arith.addi %add3A_91, %mul3A_90 : i32
      %get3A_93 = arith.index_cast %add3A_92 : i32 to index
      %get3A_94 = tpu.vector_load %arg5[%get3A_93] {strides = array<i32>} : memref<32896xf32, #tpu.memory_space<vmem>>, vector<16xf32>,
      %add3A_95 = arith.addf %add3A_88, %get3A_94 : vector<16xf32>
      %mul3A_96 = arith.constant 16 : i32
      %mul3A_97 = arith.muli %scan3A_22, %mul3A_96 : i32
      %add3A_98 = arith.constant 22539 : i32
      %add3A_99 = arith.addi %add3A_98, %mul3A_97 : i32
      %get3A_100 = arith.index_cast %add3A_99 : i32 to index
      %get3A_101 = tpu.vector_load %arg5[%get3A_100] {strides = array<i32>} : memref<32896xf32, #tpu.memory_space<vmem>>, vector<16xf32>,
      %add3A_102 = arith.addf %add3A_95, %get3A_101 : vector<16xf32>
      %mul3A_103 = arith.constant 16 : i32
      %mul3A_104 = arith.muli %scan3A_22, %mul3A_103 : i32
      %add3A_105 = arith.constant 24588 : i32
      %add3A_106 = arith.addi %add3A_105, %mul3A_104 : i32
      %get3A_107 = arith.index_cast %add3A_106 : i32 to index
      %get3A_108 = tpu.vector_load %arg5[%get3A_107] {strides = array<i32>} : memref<32896xf32, #tpu.memory_space<vmem>>, vector<16xf32>,
      %add3A_109 = arith.addf %add3A_102, %get3A_108 : vector<16xf32>
      %mul3A_110 = arith.constant 16 : i32
      %mul3A_111 = arith.muli %scan3A_22, %mul3A_110 : i32
      %add3A_112 = arith.constant 26637 : i32
      %add3A_113 = arith.addi %add3A_112, %mul3A_111 : i32
      %get3A_114 = arith.index_cast %add3A_113 : i32 to index
      %get3A_115 = tpu.vector_load %arg5[%get3A_114] {strides = array<i32>} : memref<32896xf32, #tpu.memory_space<vmem>>, vector<16xf32>,
      %add3A_116 = arith.addf %add3A_109, %get3A_115 : vector<16xf32>
      %mul3A_117 = arith.constant 16 : i32
      %mul3A_118 = arith.muli %scan3A_22, %mul3A_117 : i32
      %add3A_119 = arith.constant 28686 : i32
      %add3A_120 = arith.addi %add3A_119, %mul3A_118 : i32
      %get3A_121 = arith.index_cast %add3A_120 : i32 to index
      %get3A_122 = tpu.vector_load %arg5[%get3A_121] {strides = array<i32>} : memref<32896xf32, #tpu.memory_space<vmem>>, vector<16xf32>,
      %add3A_123 = arith.addf %add3A_116, %get3A_122 : vector<16xf32>
      %mul3A_124 = arith.constant 16 : i32
      %mul3A_125 = arith.muli %scan3A_22, %mul3A_124 : i32
      %add3A_126 = arith.constant 30735 : i32
      %add3A_127 = arith.addi %add3A_126, %mul3A_125 : i32
      %get3A_128 = arith.index_cast %add3A_127 : i32 to index
      %get3A_129 = tpu.vector_load %arg5[%get3A_128] {strides = array<i32>} : memref<32896xf32, #tpu.memory_space<vmem>>, vector<16xf32>,
      %add3A_130 = arith.addf %add3A_123, %get3A_129 : vector<16xf32>
      %mul3A_131 = arith.constant 16 : i32
      %mul3A_132 = arith.muli %scan3A_22, %mul3A_131 : i32
      %swap3A = arith.index_cast %mul3A_132 : i32 to index
      %swap3A_133 = tpu.vector_load %arg6[%swap3A] {strides = array<i32>} : memref<2048xf32, #tpu.memory_space<vmem>>, vector<16xf32>,
      tpu.vector_store %arg6[%swap3A], %add3A_130 {strides = array<i32>} : memref<2048xf32, #tpu.memory_space<vmem>>, vector<16xf32>,
    }
    %scan3A_21 = arith.constant 128 : i32
    "tpu.region"() ({
      %run_scoped3A = tpu.sem_alloc : memref<!tpu.dma_semaphore, #tpu.memory_space<semaphore_mem>>
      %dma_start3A_22 = arith.constant 0 : i32
      %dma_start3A_23 = tpu.memref_slice %arg3[%add3A, %dma_start3A_22] : memref<32x2048xf32, #tpu.memory_space<hbm>> -> memref<1x2048xf32, #tpu.memory_space<hbm>>
      %dma_start3A_24 = tpu.memref_squeeze %dma_start3A_23 : memref<1x2048xf32, #tpu.memory_space<hbm>> -> memref<2048xf32, #tpu.memory_space<hbm>>
      %dma_start3A_25 = arith.constant 0 : i32
      %dma_start3A_26 = tpu.memref_slice %arg3[%add3A, %dma_start3A_25] : memref<32x2048xf32, #tpu.memory_space<hbm>> -> memref<1x2048xf32, #tpu.memory_space<hbm>>
      %dma_start3A_27 = tpu.memref_squeeze %dma_start3A_26 : memref<1x2048xf32, #tpu.memory_space<hbm>> -> memref<2048xf32, #tpu.memory_space<hbm>>
      tpu.enqueue_dma source(%arg6 : memref<2048xf32, #tpu.memory_space<vmem>>) target(%dma_start3A_27 : memref<2048xf32, #tpu.memory_space<hbm>>) target_semaphore(%run_scoped3A : memref<!tpu.dma_semaphore, #tpu.memory_space<semaphore_mem>>)
      %dma_wait3A_28 = arith.constant 0 : i32
      %dma_wait3A_29 = tpu.memref_slice %arg3[%add3A, %dma_wait3A_28] : memref<32x2048xf32, #tpu.memory_space<hbm>> -> memref<1x2048xf32, #tpu.memory_space<hbm>>
      %dma_wait3A_30 = tpu.memref_squeeze %dma_wait3A_29 : memref<1x2048xf32, #tpu.memory_space<hbm>> -> memref<2048xf32, #tpu.memory_space<hbm>>
      %dma_wait3A_31 = arith.constant 0 : i32
      %dma_wait3A_32 = tpu.memref_slice %arg3[%add3A, %dma_wait3A_31] : memref<32x2048xf32, #tpu.memory_space<hbm>> -> memref<1x2048xf32, #tpu.memory_space<hbm>>
      %dma_wait3A_33 = tpu.memref_squeeze %dma_wait3A_32 : memref<1x2048xf32, #tpu.memory_space<hbm>> -> memref<2048xf32, #tpu.memory_space<hbm>>
      tpu.wait_dma2 semaphore(%run_scoped3A : memref<!tpu.dma_semaphore, #tpu.memory_space<semaphore_mem>>) src(%arg6 : memref<2048xf32, #tpu.memory_space<vmem>>) dst(%dma_wait3A_33 : memref<2048xf32, #tpu.memory_space<hbm>>)
      tpu.yield
    }) : () -> ()
    return
  }
}

module attributes {stable_mosaic.version = 14 : i64} {
  func.func @_final_body(%arg0: i32, %arg1: memref<992x128xf32, #tpu.memory_space<vmem>>, %arg2: memref<992x128xi32, #tpu.memory_space<vmem>>, %arg3: memref<32x16x128xf32, #tpu.memory_space<vmem>>, %arg4: memref<8x128xf32, #tpu.memory_space<vmem>>, %arg5: memref<8xf32, #tpu.memory_space<smem>>) attributes {dimension_semantics = [#tpu.dimension_semantics<arbitrary>], iteration_bounds = array<i64: 8>, scalar_prefetch = 0 : i64, scratch_operands = 1 : i64, tpu.core_type = #tpu.core_type<tc>, window_params = [{transform_indices = @transform_0, window_bounds = array<i64: 992, 128>}, {transform_indices = @transform_1, window_bounds = array<i64: 992, 128>}, {pipeline_mode = #tpu.pipeline_mode<synchronous>, transform_indices = @transform_2, window_bounds = array<i64: 32, 16, 128>}, {pipeline_mode = #tpu.pipeline_mode<synchronous>, transform_indices = @transform_3, window_bounds = array<i64: 8, 128>}]} {
    %eq3A = arith.constant 0 : i32
    %eq3A_0 = arith.cmpi eq, %arg0, %eq3A : i32
    %convert_element_type3A = arith.extui %eq3A_0 : i1 to i32
    %cond3A = arith.constant 8.000000e+05 : f32
    %cond3A_1 = arith.constant 0 : i32
    %cond3A_2 = arith.cmpi ne, %convert_element_type3A, %cond3A_1 : i32
    scf.if %cond3A_2 {
      %get3A_61 = arith.constant 0 : index
      %get3A_62 = arith.constant 0 : index
      %get3A_63 = arith.constant 0 : index
      %get3A_64 = vector.load %arg3[%get3A_61, %get3A_62, %get3A_63] : memref<32x16x128xf32, #tpu.memory_space<vmem>>, vector<32x16x128xf32>
      %reduce_sum3A_65 = arith.constant dense<0.000000e+00> : vector<16x128xf32>
      %reduce_sum3A_66 = vector.multi_reduction <add>, %get3A_64, %reduce_sum3A_65 [0] : vector<32x16x128xf32> to vector<16x128xf32>
      %iota3A_67 = tpu.iota {dimensions = array<i32: 0>} : vector<128x128xi32>
      %iota3A_68 = tpu.iota {dimensions = array<i32: 1>} : vector<128x128xi32>
      %le3A = arith.cmpi sle, %iota3A_67, %iota3A_68 : vector<128x128xi32>
      %convert_element_type3A_69 = arith.extui %le3A : vector<128x128xi1> to vector<128x128xi32>
      %convert_element_type3A_70 = arith.sitofp %convert_element_type3A_69 : vector<128x128xi32> to vector<128x128xf32>
      %iota3A_71 = tpu.iota {dimensions = array<i32: 0>} : vector<16x16xi32>
      %iota3A_72 = tpu.iota {dimensions = array<i32: 1>} : vector<16x16xi32>
      %lt3A_73 = arith.cmpi slt, %iota3A_72, %iota3A_71 : vector<16x16xi32>
      %convert_element_type3A_74 = arith.extui %lt3A_73 : vector<16x16xi1> to vector<16x16xi32>
      %convert_element_type3A_75 = arith.sitofp %convert_element_type3A_74 : vector<16x16xi32> to vector<16x16xf32>
      %dot_general3A = arith.constant dense<0.000000e+00> : vector<16x128xf32>
      %dot_general3A_76 = tpu.matmul %reduce_sum3A_66, %convert_element_type3A_70, %dot_general3A {dimension_numbers = #tpu.dot_dimension_numbers<[1], [0], [0], [1], [0, 0, 1, 1], [], []>, transpose_lhs_hint = false} : vector<16x128xf32>, vector<128x128xf32>, vector<16x128xf32> -> vector<16x128xf32>
      %slice3A = vector.extract_strided_slice %dot_general3A_76 {offsets = [0, 127], sizes = [16, 1], strides = [1, 1]} : vector<16x128xf32> to vector<16x1xf32>
      %dot_general3A_77 = arith.constant dense<0.000000e+00> : vector<16x1xf32>
      %dot_general3A_78 = tpu.matmul %convert_element_type3A_75, %slice3A, %dot_general3A_77 {dimension_numbers = #tpu.dot_dimension_numbers<[1], [0], [0], [1], [0, 0, 1, 1], [], []>, transpose_lhs_hint = false} : vector<16x16xf32>, vector<16x1xf32>, vector<16x1xf32> -> vector<16x1xf32>
      %add3A_79 = vector.broadcast %dot_general3A_78 : vector<16x1xf32> to vector<16x128xf32>
      %add3A_80 = arith.addf %add3A_79, %dot_general3A_76 : vector<16x128xf32>
      %iota3A_81 = tpu.iota {dimensions = array<i32: 0>} : vector<16x128xi32>
      %mul3A_82 = arith.constant 128 : i32
      %mul3A_83 = vector.broadcast %mul3A_82 : i32 to vector<16x128xi32>
      %mul3A_84 = arith.muli %iota3A_81, %mul3A_83 : vector<16x128xi32>
      %iota3A_85 = tpu.iota {dimensions = array<i32: 1>} : vector<16x128xi32>
      %add3A_86 = arith.addi %mul3A_84, %iota3A_85 : vector<16x128xi32>
      %ge3A = vector.broadcast %cond3A : f32 to vector<16x128xf32>
      %ge3A_87 = arith.cmpf oge, %add3A_80, %ge3A : vector<16x128xf32>
      %jit3A_88 = arith.constant 1073741824 : i32
      %broadcast_in_dim3A_89 = vector.broadcast %jit3A_88 : i32 to vector<16x128xi32>
      %select_n3A_90 = arith.select %ge3A_87, %add3A_86, %broadcast_in_dim3A_89 : vector<16x128xi1>, vector<16x128xi32>
      %reduce_min3A = vector.shape_cast %select_n3A_90 : vector<16x128xi32> to vector<1x16x128xi32>
      %reduce_min3A_91 = arith.constant dense<2147483647> : vector<1xi32>
      %reduce_min3A_92 = vector.multi_reduction <minsi>, %reduce_min3A, %reduce_min3A_91 [1, 2] : vector<1x16x128xi32> to vector<1xi32>
      %reduce_min3A_93 = vector.shape_cast %reduce_min3A_92 : vector<1xi32> to vector<1x1x1xi32>
      %reduce_min3A_94 = vector.extract %reduce_min3A_93[0, 0, 0] : i32 from vector<1x1x1xi32>
      %convert_element_type3A_95 = arith.sitofp %reduce_min3A_94 : i32 to f32
      %swap3A_96 = arith.constant 0 : index
      %swap3A_97 = memref.load %arg5[%swap3A_96] : memref<8xf32, #tpu.memory_space<smem>>
      memref.store %convert_element_type3A_95, %arg5[%swap3A_96] : memref<8xf32, #tpu.memory_space<smem>>
      %lt3A_98 = vector.broadcast %reduce_min3A_94 : i32 to vector<16x128xi32>
      %lt3A_99 = arith.cmpi slt, %add3A_86, %lt3A_98 : vector<16x128xi32>
      %jit3A_100 = arith.constant 0.000000e+00 : f32
      %broadcast_in_dim3A_101 = vector.broadcast %jit3A_100 : f32 to vector<16x128xf32>
      %select_n3A_102 = arith.select %lt3A_99, %reduce_sum3A_66, %broadcast_in_dim3A_101 : vector<16x128xi1>, vector<16x128xf32>
      %reduce_sum3A_103 = vector.shape_cast %select_n3A_102 : vector<16x128xf32> to vector<1x16x128xf32>
      %reduce_sum3A_104 = arith.constant dense<0.000000e+00> : vector<1xf32>
      %reduce_sum3A_105 = vector.multi_reduction <add>, %reduce_sum3A_103, %reduce_sum3A_104 [1, 2] : vector<1x16x128xf32> to vector<1xf32>
      %reduce_sum3A_106 = vector.shape_cast %reduce_sum3A_105 : vector<1xf32> to vector<1x1x1xf32>
      %reduce_sum3A_107 = vector.extract %reduce_sum3A_106[0, 0, 0] : f32 from vector<1x1x1xf32>
      %swap3A_108 = arith.constant 1 : index
      %swap3A_109 = memref.load %arg5[%swap3A_108] : memref<8xf32, #tpu.memory_space<smem>>
      memref.store %reduce_sum3A_107, %arg5[%swap3A_108] : memref<8xf32, #tpu.memory_space<smem>>
      %eq3A_110 = vector.broadcast %reduce_min3A_94 : i32 to vector<16x128xi32>
      %eq3A_111 = arith.cmpi eq, %add3A_86, %eq3A_110 : vector<16x128xi32>
      %jit3A_112 = arith.constant 0.000000e+00 : f32
      %broadcast_in_dim3A_113 = vector.broadcast %jit3A_112 : f32 to vector<16x128xf32>
      %select_n3A_114 = arith.select %eq3A_111, %reduce_sum3A_66, %broadcast_in_dim3A_113 : vector<16x128xi1>, vector<16x128xf32>
      %reduce_sum3A_115 = vector.shape_cast %select_n3A_114 : vector<16x128xf32> to vector<1x16x128xf32>
      %reduce_sum3A_116 = arith.constant dense<0.000000e+00> : vector<1xf32>
      %reduce_sum3A_117 = vector.multi_reduction <add>, %reduce_sum3A_115, %reduce_sum3A_116 [1, 2] : vector<1x16x128xf32> to vector<1xf32>
      %reduce_sum3A_118 = vector.shape_cast %reduce_sum3A_117 : vector<1xf32> to vector<1x1x1xf32>
      %reduce_sum3A_119 = vector.extract %reduce_sum3A_118[0, 0, 0] : f32 from vector<1x1x1xf32>
      %swap3A_120 = arith.constant 2 : index
      %swap3A_121 = memref.load %arg5[%swap3A_120] : memref<8xf32, #tpu.memory_space<smem>>
      memref.store %reduce_sum3A_119, %arg5[%swap3A_120] : memref<8xf32, #tpu.memory_space<smem>>
      %swap3A_122 = arith.constant 0.000000e+00 : f32
      %swap3A_123 = arith.constant 3 : index
      %swap3A_124 = memref.load %arg5[%swap3A_123] : memref<8xf32, #tpu.memory_space<smem>>
      memref.store %swap3A_122, %arg5[%swap3A_123] : memref<8xf32, #tpu.memory_space<smem>>
      %swap3A_125 = arith.constant 0.000000e+00 : f32
      %swap3A_126 = arith.constant 4 : index
      %swap3A_127 = memref.load %arg5[%swap3A_126] : memref<8xf32, #tpu.memory_space<smem>>
      memref.store %swap3A_125, %arg5[%swap3A_126] : memref<8xf32, #tpu.memory_space<smem>>
    } else {
    }
    %get3A = arith.constant 0 : index
    %get3A_3 = arith.constant 0 : index
    %get3A_4 = vector.load %arg1[%get3A, %get3A_3] : memref<992x128xf32, #tpu.memory_space<vmem>>, vector<992x128xf32>
    %get3A_5 = arith.constant 0 : index
    %get3A_6 = arith.constant 0 : index
    %get3A_7 = vector.load %arg2[%get3A_5, %get3A_6] : memref<992x128xi32, #tpu.memory_space<vmem>>, vector<992x128xi32>
    %iota3A = tpu.iota {dimensions = array<i32: 1>} : vector<992x128xi32>
    %jit3A = arith.constant 16 : i32
    %eq3A_8 = arith.constant 0 : i32
    %eq3A_9 = arith.cmpi eq, %jit3A, %eq3A_8 : i32
    %jit3A_10 = arith.constant 1 : i32
    %select_n3A = arith.select %eq3A_9, %jit3A_10, %jit3A : i32
    %rem3A = vector.broadcast %select_n3A : i32 to vector<992x128xi32>
    %rem3A_11 = arith.remsi %iota3A, %rem3A : vector<992x128xi32>
    %ne3A = arith.constant 0 : i32
    %ne3A_12 = vector.broadcast %ne3A : i32 to vector<992x128xi32>
    %ne3A_13 = arith.cmpi ne, %rem3A_11, %ne3A_12 : vector<992x128xi32>
    %lt3A = arith.constant 0 : i32
    %lt3A_14 = vector.broadcast %lt3A : i32 to vector<992x128xi32>
    %lt3A_15 = arith.cmpi slt, %rem3A_11, %lt3A_14 : vector<992x128xi32>
    %lt3A_16 = arith.constant 0 : i32
    %lt3A_17 = arith.cmpi slt, %select_n3A, %lt3A_16 : i32
    %ne3A_18 = vector.broadcast %lt3A_17 : i1 to vector<992x128xi1>
    %ne3A_19 = vector.broadcast %ne3A_18 : vector<992x128xi1> to vector<992x128xi1>
    %ne3A_20 = arith.xori %lt3A_15, %ne3A_19 : vector<992x128xi1>
    %and3A = arith.andi %ne3A_20, %ne3A_13 : vector<992x128xi1>
    %add3A = vector.broadcast %select_n3A : i32 to vector<992x128xi32>
    %add3A_21 = arith.addi %rem3A_11, %add3A : vector<992x128xi32>
    %select_n3A_22 = arith.select %and3A, %add3A_21, %rem3A_11 : vector<992x128xi1>, vector<992x128xi32>
    %mul3A = arith.constant 2049 : i32
    %mul3A_23 = vector.broadcast %mul3A : i32 to vector<992x128xi32>
    %mul3A_24 = arith.muli %select_n3A_22, %mul3A_23 : vector<992x128xi32>
    %sub3A = arith.subi %get3A_7, %mul3A_24 : vector<992x128xi32>
    %get3A_25 = arith.constant 0 : index
    %get3A_26 = memref.load %arg5[%get3A_25] : memref<8xf32, #tpu.memory_space<smem>>
    %convert_element_type3A_27 = arith.fptosi %get3A_26 : f32 to i32
    %get3A_28 = arith.constant 3 : index
    %get3A_29 = memref.load %arg5[%get3A_28] : memref<8xf32, #tpu.memory_space<smem>>
    %lt3A_30 = vector.broadcast %convert_element_type3A_27 : i32 to vector<992x128xi32>
    %lt3A_31 = arith.cmpi slt, %sub3A, %lt3A_30 : vector<992x128xi32>
    %jit3A_32 = arith.constant 0.000000e+00 : f32
    %broadcast_in_dim3A = vector.broadcast %jit3A_32 : f32 to vector<992x128xf32>
    %select_n3A_33 = arith.select %lt3A_31, %get3A_4, %broadcast_in_dim3A : vector<992x128xi1>, vector<992x128xf32>
    %reduce_sum3A = vector.shape_cast %select_n3A_33 : vector<992x128xf32> to vector<1x992x128xf32>
    %reduce_sum3A_34 = arith.constant dense<0.000000e+00> : vector<1xf32>
    %reduce_sum3A_35 = vector.multi_reduction <add>, %reduce_sum3A, %reduce_sum3A_34 [1, 2] : vector<1x992x128xf32> to vector<1xf32>
    %reduce_sum3A_36 = vector.shape_cast %reduce_sum3A_35 : vector<1xf32> to vector<1x1x1xf32>
    %reduce_sum3A_37 = vector.extract %reduce_sum3A_36[0, 0, 0] : f32 from vector<1x1x1xf32>
    %add3A_38 = arith.addf %get3A_29, %reduce_sum3A_37 : f32
    %swap3A = arith.constant 3 : index
    %swap3A_39 = memref.load %arg5[%swap3A] : memref<8xf32, #tpu.memory_space<smem>>
    memref.store %add3A_38, %arg5[%swap3A] : memref<8xf32, #tpu.memory_space<smem>>
    %get3A_40 = arith.constant 4 : index
    %get3A_41 = memref.load %arg5[%get3A_40] : memref<8xf32, #tpu.memory_space<smem>>
    %eq3A_42 = vector.broadcast %convert_element_type3A_27 : i32 to vector<992x128xi32>
    %eq3A_43 = arith.cmpi eq, %sub3A, %eq3A_42 : vector<992x128xi32>
    %jit3A_44 = arith.constant 0.000000e+00 : f32
    %broadcast_in_dim3A_45 = vector.broadcast %jit3A_44 : f32 to vector<992x128xf32>
    %select_n3A_46 = arith.select %eq3A_43, %get3A_4, %broadcast_in_dim3A_45 : vector<992x128xi1>, vector<992x128xf32>
    %reduce_sum3A_47 = vector.shape_cast %select_n3A_46 : vector<992x128xf32> to vector<1x992x128xf32>
    %reduce_sum3A_48 = arith.constant dense<0.000000e+00> : vector<1xf32>
    %reduce_sum3A_49 = vector.multi_reduction <add>, %reduce_sum3A_47, %reduce_sum3A_48 [1, 2] : vector<1x992x128xf32> to vector<1xf32>
    %reduce_sum3A_50 = vector.shape_cast %reduce_sum3A_49 : vector<1xf32> to vector<1x1x1xf32>
    %reduce_sum3A_51 = vector.extract %reduce_sum3A_50[0, 0, 0] : f32 from vector<1x1x1xf32>
    %add3A_52 = arith.addf %get3A_41, %reduce_sum3A_51 : f32
    %swap3A_53 = arith.constant 4 : index
    %swap3A_54 = memref.load %arg5[%swap3A_53] : memref<8xf32, #tpu.memory_space<smem>>
    memref.store %add3A_52, %arg5[%swap3A_53] : memref<8xf32, #tpu.memory_space<smem>>
    %eq3A_55 = arith.constant 7 : i32
    %eq3A_56 = arith.cmpi eq, %arg0, %eq3A_55 : i32
    %convert_element_type3A_57 = arith.extui %eq3A_56 : i1 to i32
    %cond3A_58 = arith.constant 8.000000e+05 : f32
    %cond3A_59 = arith.constant 0 : i32
    %cond3A_60 = arith.cmpi ne, %convert_element_type3A_57, %cond3A_59 : i32
    scf.if %cond3A_60 {
      %get3A_61 = arith.constant 1 : index
      %get3A_62 = memref.load %arg5[%get3A_61] : memref<8xf32, #tpu.memory_space<smem>>
      %sub3A_63 = arith.subf %cond3A_58, %get3A_62 : f32
      %get3A_64 = arith.constant 3 : index
      %get3A_65 = memref.load %arg5[%get3A_64] : memref<8xf32, #tpu.memory_space<smem>>
      %get3A_66 = arith.constant 4 : index
      %get3A_67 = memref.load %arg5[%get3A_66] : memref<8xf32, #tpu.memory_space<smem>>
      %mul3A_68 = arith.mulf %sub3A_63, %get3A_67 : f32
      %get3A_69 = arith.constant 2 : index
      %get3A_70 = memref.load %arg5[%get3A_69] : memref<8xf32, #tpu.memory_space<smem>>
      %div3A = arith.divf %mul3A_68, %get3A_70 : f32
      %add3A_71 = arith.addf %get3A_65, %div3A : f32
      %div3A_72 = arith.divf %add3A_71, %cond3A_58 : f32
      %broadcast_in_dim3A_73 = vector.broadcast %div3A_72 : f32 to vector<8x128xf32>
      %swap3A_74 = arith.constant 0 : index
      %swap3A_75 = arith.constant 0 : index
      %swap3A_76 = vector.load %arg4[%swap3A_74, %swap3A_75] : memref<8x128xf32, #tpu.memory_space<vmem>>, vector<8x128xf32>
      tpu.vector_store %arg4[%swap3A_74, %swap3A_75], %broadcast_in_dim3A_73 {strides = array<i32>} : memref<8x128xf32, #tpu.memory_space<vmem>>, vector<8x128xf32>,
    } else {
    }
    return
  }
  func.func @transform_0(%arg0: i32) -> (i32, i32) {
    %c0_i32 = arith.constant 0 : i32
    %c0_i32_0 = arith.constant 0 : i32
    return %arg0, %c0_i32 : i32, i32
  }
  func.func @transform_1(%arg0: i32) -> (i32, i32) {
    %c0_i32 = arith.constant 0 : i32
    %c0_i32_0 = arith.constant 0 : i32
    return %arg0, %c0_i32 : i32, i32
  }
  func.func @transform_2(%arg0: i32) -> (i32, i32, i32) {
    %c0_i32 = arith.constant 0 : i32
    %c0_i32_0 = arith.constant 0 : i32
    %c0_i32_1 = arith.constant 0 : i32
    %c0_i32_2 = arith.constant 0 : i32
    return %c0_i32, %c0_i32_0, %c0_i32_1 : i32, i32, i32
  }
  func.func @transform_3(%arg0: i32) -> (i32, i32) {
    %c0_i32 = arith.constant 0 : i32
    %c0_i32_0 = arith.constant 0 : i32
    %c0_i32_1 = arith.constant 0 : i32
    return %c0_i32, %c0_i32_0 : i32, i32
  }
}

module attributes {stable_mosaic.version = 14 : i64} {
  func.func @_prep_body(%arg0: i32, %arg1: memref<992x128xf32, #tpu.memory_space<vmem>>, %arg2: memref<992x128xf32, #tpu.memory_space<vmem>>, %arg3: memref<992x128xf32, #tpu.memory_space<vmem>>, %arg4: memref<992x128xi32, #tpu.memory_space<vmem>>) attributes {dimension_semantics = [#tpu.dimension_semantics<arbitrary>], iteration_bounds = array<i64: 8>, scalar_prefetch = 0 : i64, scratch_operands = 0 : i64, tpu.core_type = #tpu.core_type<tc>, window_params = [{transform_indices = @transform_0, window_bounds = array<i64: 992, 128>}, {transform_indices = @transform_1, window_bounds = array<i64: 992, 128>}, {transform_indices = @transform_2, window_bounds = array<i64: 992, 128>}, {transform_indices = @transform_3, window_bounds = array<i64: 992, 128>}]} {
    %get3A = arith.constant 0 : index
    %get3A_0 = arith.constant 0 : index
    %get3A_1 = vector.load %arg1[%get3A, %get3A_0] : memref<992x128xf32, #tpu.memory_space<vmem>>, vector<992x128xf32>
    %get3A_2 = arith.constant 0 : index
    %get3A_3 = arith.constant 0 : index
    %get3A_4 = vector.load %arg2[%get3A_2, %get3A_3] : memref<992x128xf32, #tpu.memory_space<vmem>>, vector<992x128xf32>
    %max3A = arith.constant 0.000000e+00 : f32
    %max3A_5 = vector.broadcast %max3A : f32 to vector<992x128xf32>
    %max3A_6 = arith.maximumf %get3A_1, %max3A_5 : vector<992x128xf32>
    %mul3A = arith.mulf %get3A_1, %get3A_4 : vector<992x128xf32>
    %sub3A = arith.subf %max3A_6, %mul3A : vector<992x128xf32>
    %abs3A = math.absf %get3A_1 : vector<992x128xf32>
    %neg3A = arith.constant 0.000000e+00 : f32
    %neg3A_7 = vector.broadcast %neg3A : f32 to vector<992x128xf32>
    %neg3A_8 = arith.subf %neg3A_7, %abs3A : vector<992x128xf32>
    %exp3A = math.exp %neg3A_8 : vector<992x128xf32>
    %log1p3A = math.log1p %exp3A : vector<992x128xf32>
    %add3A = arith.addf %sub3A, %log1p3A : vector<992x128xf32>
    %swap3A = arith.constant 0 : index
    %swap3A_9 = arith.constant 0 : index
    %swap3A_10 = vector.load %arg3[%swap3A, %swap3A_9] : memref<992x128xf32, #tpu.memory_space<vmem>>, vector<992x128xf32>
    tpu.vector_store %arg3[%swap3A, %swap3A_9], %add3A {strides = array<i32>} : memref<992x128xf32, #tpu.memory_space<vmem>>, vector<992x128xf32>,
    %logistic3A = arith.negf %get3A_1 : vector<992x128xf32>
    %logistic3A_11 = math.exp %logistic3A : vector<992x128xf32>
    %logistic3A_12 = arith.constant 1.000000e+00 : f32
    %logistic3A_13 = vector.broadcast %logistic3A_12 : f32 to vector<992x128xf32>
    %logistic3A_14 = arith.addf %logistic3A_13, %logistic3A_11 : vector<992x128xf32>
    %logistic3A_15 = arith.divf %logistic3A_13, %logistic3A_14 : vector<992x128xf32>
    %sub3A_16 = arith.subf %logistic3A_15, %get3A_4 : vector<992x128xf32>
    %abs3A_17 = math.absf %sub3A_16 : vector<992x128xf32>
    %mul3A_18 = arith.constant 2.048000e+03 : f32
    %mul3A_19 = vector.broadcast %mul3A_18 : f32 to vector<992x128xf32>
    %mul3A_20 = arith.mulf %abs3A_17, %mul3A_19 : vector<992x128xf32>
    %convert_element_type3A = arith.fptosi %mul3A_20 : vector<992x128xf32> to vector<992x128xi32>
    %lt3A = arith.constant 2048 : i32
    %lt3A_21 = vector.broadcast %lt3A : i32 to vector<992x128xi32>
    %lt3A_22 = arith.cmpi slt, %convert_element_type3A, %lt3A_21 : vector<992x128xi32>
    %jit3A = arith.constant 2048 : i32
    %broadcast_in_dim3A = vector.broadcast %jit3A : i32 to vector<992x128xi32>
    %select_n3A = arith.select %lt3A_22, %convert_element_type3A, %broadcast_in_dim3A : vector<992x128xi1>, vector<992x128xi32>
    %iota3A = tpu.iota {dimensions = array<i32: 1>} : vector<992x128xi32>
    %jit3A_23 = arith.constant 16 : i32
    %eq3A = arith.constant 0 : i32
    %eq3A_24 = arith.cmpi eq, %jit3A_23, %eq3A : i32
    %jit3A_25 = arith.constant 1 : i32
    %select_n3A_26 = arith.select %eq3A_24, %jit3A_25, %jit3A_23 : i32
    %rem3A = vector.broadcast %select_n3A_26 : i32 to vector<992x128xi32>
    %rem3A_27 = arith.remsi %iota3A, %rem3A : vector<992x128xi32>
    %ne3A = arith.constant 0 : i32
    %ne3A_28 = vector.broadcast %ne3A : i32 to vector<992x128xi32>
    %ne3A_29 = arith.cmpi ne, %rem3A_27, %ne3A_28 : vector<992x128xi32>
    %lt3A_30 = arith.constant 0 : i32
    %lt3A_31 = vector.broadcast %lt3A_30 : i32 to vector<992x128xi32>
    %lt3A_32 = arith.cmpi slt, %rem3A_27, %lt3A_31 : vector<992x128xi32>
    %lt3A_33 = arith.constant 0 : i32
    %lt3A_34 = arith.cmpi slt, %select_n3A_26, %lt3A_33 : i32
    %ne3A_35 = vector.broadcast %lt3A_34 : i1 to vector<992x128xi1>
    %ne3A_36 = vector.broadcast %ne3A_35 : vector<992x128xi1> to vector<992x128xi1>
    %ne3A_37 = arith.xori %lt3A_32, %ne3A_36 : vector<992x128xi1>
    %and3A = arith.andi %ne3A_37, %ne3A_29 : vector<992x128xi1>
    %add3A_38 = vector.broadcast %select_n3A_26 : i32 to vector<992x128xi32>
    %add3A_39 = arith.addi %rem3A_27, %add3A_38 : vector<992x128xi32>
    %select_n3A_40 = arith.select %and3A, %add3A_39, %rem3A_27 : vector<992x128xi1>, vector<992x128xi32>
    %mul3A_41 = arith.constant 2049 : i32
    %mul3A_42 = vector.broadcast %mul3A_41 : i32 to vector<992x128xi32>
    %mul3A_43 = arith.muli %select_n3A_40, %mul3A_42 : vector<992x128xi32>
    %add3A_44 = arith.addi %select_n3A, %mul3A_43 : vector<992x128xi32>
    %swap3A_45 = arith.constant 0 : index
    %swap3A_46 = arith.constant 0 : index
    %swap3A_47 = vector.load %arg4[%swap3A_45, %swap3A_46] : memref<992x128xi32, #tpu.memory_space<vmem>>, vector<992x128xi32>
    tpu.vector_store %arg4[%swap3A_45, %swap3A_46], %add3A_44 {strides = array<i32>} : memref<992x128xi32, #tpu.memory_space<vmem>>, vector<992x128xi32>,
    return
  }
  func.func @transform_0(%arg0: i32) -> (i32, i32) {
    %c0_i32 = arith.constant 0 : i32
    %c0_i32_0 = arith.constant 0 : i32
    return %arg0, %c0_i32 : i32, i32
  }
  func.func @transform_1(%arg0: i32) -> (i32, i32) {
    %c0_i32 = arith.constant 0 : i32
    %c0_i32_0 = arith.constant 0 : i32
    return %arg0, %c0_i32 : i32, i32
  }
  func.func @transform_2(%arg0: i32) -> (i32, i32) {
    %c0_i32 = arith.constant 0 : i32
    %c0_i32_0 = arith.constant 0 : i32
    return %arg0, %c0_i32 : i32, i32
  }
  func.func @transform_3(%arg0: i32) -> (i32, i32) {
    %c0_i32 = arith.constant 0 : i32
    %c0_i32_0 = arith.constant 0 : i32
    return %arg0, %c0_i32 : i32, i32
  }
}

</mosaic_0001>

<sc_bundles>
// kernel: kernel.5.cloned.1.call-start
scs
__scs_entry_jumppad:
0x0: {  	(pc) =	sbr.rel $0x88, $3  }
0x1: {  	(tag) =	ssettag $0x0;
	lr =	simm.s32 $0x1  }
0x2: {  	[smem:$0x3F9F] =	sst lr;
	_ =	strace $0xD0000000  }
0x3: {  	_ = 	snop  }
0x4: {  	_ = 	snop  }
0x5: {  	_ = 	snop  }
0x6: {  	_ = 	snop  }
0x7: {  	_ = 	snop  }
__scs_overlays_trampoline_lowered:
0x8: {  	[smem:$0x3FAE] =	sst s0  }
0x9: {  	[smem:$0x3FAF] =	sst s1  }
0xa: {  	[smem:$0x3FB0] =	sst s2  }
0xb: {  	[smem:$0x3FB1] =	sst s3  }
0xc: {  	[smem:$0x3FB2] =	sst s4  }
0xd: {  	[smem:$0x3FB3] =	sst s5  }
0xe: {  	[smem:$0x3FB4] =	sst s6  }
0xf: {  	[smem:$0x3FB5] =	sst s7  }
0x10: {  	[smem:$0x3FB6] =	sst s8  }
0x11: {  	[smem:$0x3FB7] =	sst s9;
	s0 =	simm.s32 @!p0 $0x0  }
0x12: {  	s1 =	sld [smem:$0x3F9D];
	s0 =	simm.s32 @p0 $0x1  }
0x13: {  	[smem:$0x3FB8] =	sst s0;
	s0 =	simm.s32 @!p1 $0x0  }
0x14: {  	s2 =	sld [smem:$0x3F9C];
	s0 =	simm.s32 @p1 $0x1  }
0x15: {  	[smem:$0x3FB9] =	sst s0;
	s0 =	simm.s32 @!p2 $0x0  }
0x16: {  	s3 =	sld [smem:$0x3FDB];
	s0 =	simm.s32 @p2 $0x1  }
0x17: {  	s4 =	simm.s32 $0x1BF5;
	[smem:$0x3FBB] =	sst s0  }
0x18: {  	s0 =	sld [smem:$0x3F9E];
	_ =	swait.ge [sflag:s4], $0x0  }
0x19: {  	s7 =	sld [smem:$0x3F9F]  }
0x1a: {  	s8 =	sadd.s32 $0xFFFFE003, lr  }
0x1b: {  	s9 =	sadd.s32 $0xFFFFFEF7, lr;
	s5 =	simm.s32 $0xFFFFFFFF;
	p2 =	slt.u32 s8, $0xFFFFF086  }
0x1c: {  	p1 =	slt.u32 s9, $0xF7A;
	s5 =	simm.s32 @!p2 $0x0  }
0x1d: {  	s5 =	simm.s32 @p1 $0x1;
	p0 =	seq.s32 s7, s2  }
0x1e: {  	s7 =	smul.u32 @!p0 $0xF7A, s2;
	p2 =	seq.s32 @!p0 s5, $0x0  }
0x1f: {  	s9 =	smul.u32 $0xF7A, s1;
	s8 =	simm.s32 @!p0 $0x1BF5;
	p2 =	por !p2, p0  }
0x20: {  	[sflag:s8] =	ssyncset.s32 @!p0 $0xFFFFF086;
	s6 =	sadd.s32 @!p0 s3, s7;
	s7 =	simm.s32 @!p0 $0x108  }
0x21: {  	s3 =	sadd.s32 s3, s9;
	s6 =	sadd.s32 @!p0 $0x88, s6;
	s7 =	simm.s32 @p2 $0x1082  }
0x22: {  	[simem:s7], [sflag:s8] =	dma.local @!p0 [hbm:s6], $0xF7A  }
0x23: {  	s9 =	sor.u32 $0xD0000000, s2;
	s6 =	simm.s32 $0x108;
	_ =	swait.ge @!p0 [sflag:s8], $0x0  }
0x24: {  	s3 =	sadd.s32 $0x88, s3;
	s6 =	simm.s32 @!p1 $0x1082;
	[sflag:s4] =	ssyncset.s32 $0xFFFFF086  }
0x25: {  	[simem:s6], [sflag:s4] =	dma.local [hbm:s3], $0xF7A  }
0x26: {  	[smem:$0x3F9F] =	sst s1;
	(tag) =	ssettag s2;
	_ =	strace s9  }
0x27: {  	s1 =	sld [smem:$0x3FAF]  }
0x28: {  	s2 =	sld [smem:$0x3FB0]  }
0x29: {  	s4 =	sld [smem:$0x3FB2]  }
0x2a: {  	p0 =	seq.s32 s5, $0x0;
	s5 =	sld [smem:$0x3FB3]  }
0x2b: {  	s6 =	sld [smem:$0x3FB4]  }
0x2c: {  	s7 =	sld [smem:$0x3FB5]  }
0x2d: {  	s3 =	simm.s32 $0x108;
	s8 =	sld [smem:$0x3FB6]  }
0x2e: {  	s3 =	simm.s32 @!p0 $0x1082;
	s9 =	sld [smem:$0x3FB7]  }
0x2f: {  	lr =	sadd.s32 s0, s3;
	s0 =	sld [smem:$0x3FAE]  }
0x30: {  	s3 =	sld [smem:$0x3FB1]  }
0x31: {  	[smem:$0x3FBA] =	sst s10  }
0x32: {  	s10 =	sld [smem:$0x3FB8];
	_ =	sdelay $0x3  }
0x33: {  	p0 =	seq.s32 s10, $0x1;
	s10 =	sld [smem:$0x3FBA];
	_ =	sdelay $0x3  }
0x34: {  	[smem:$0x3FBA] =	sst s10  }
0x35: {  	s10 =	sld [smem:$0x3FB9];
	_ =	sdelay $0x3  }
0x36: {  	p1 =	seq.s32 s10, $0x1;
	s10 =	sld [smem:$0x3FBA];
	_ =	sdelay $0x3  }
0x37: {  	[smem:$0x3FBA] =	sst s10  }
0x38: {  	s10 =	sld [smem:$0x3FBB]  }
0x39: {  	_ = 	snop;
	(pc) =	sbr.ind lr, $3  }
0x3a: {  	_ = 	snop  }
0x3b: {  	_ = 	snop  }
0x3c: {  	p2 =	seq.s32 s10, $0x1;
	s10 =	sld [smem:$0x3FBA]  }
0x3d: {  	_ =	shalt  }
0x3e: {  	_ =	shalt  }
0x3f: {  	_ =	shalt  }
0x40: {  	_ =	shalt  }
0x41: {  	_ =	shalt  }
0x42: {  	_ =	shalt  }
0x43: {  	_ =	shalt  }
0x44: {  	_ =	shalt  }
0x45: {  	_ =	shalt  }
0x46: {  	_ =	shalt  }
0x47: {  	_ =	shalt  }
0x48: {  	_ =	shalt  }
0x49: {  	_ =	shalt  }
0x4a: {  	_ =	shalt  }
0x4b: {  	_ =	shalt  }
0x4c: {  	_ =	shalt  }
0x4d: {  	_ =	shalt  }
0x4e: {  	_ =	shalt  }
0x4f: {  	_ =	shalt  }
0x50: {  	_ =	shalt  }
0x51: {  	_ =	shalt  }
0x52: {  	_ =	shalt  }
0x53: {  	_ =	shalt  }
0x54: {  	_ =	shalt  }
0x55: {  	_ =	shalt  }
0x56: {  	_ =	shalt  }
0x57: {  	_ =	shalt  }
0x58: {  	_ =	shalt  }
0x59: {  	_ =	shalt  }
0x5a: {  	_ =	shalt  }
0x5b: {  	_ =	shalt  }
0x5c: {  	_ =	shalt  }
0x5d: {  	_ =	shalt  }
0x5e: {  	_ =	shalt  }
0x5f: {  	_ =	shalt  }
0x60: {  	_ =	shalt  }
0x61: {  	_ =	shalt  }
0x62: {  	_ =	shalt  }
0x63: {  	_ =	shalt  }
0x64: {  	_ =	shalt  }
0x65: {  	_ =	shalt  }
0x66: {  	_ =	shalt  }
0x67: {  	_ =	shalt  }
0x68: {  	_ =	shalt  }
0x69: {  	_ =	shalt  }
0x6a: {  	_ =	shalt  }
0x6b: {  	_ =	shalt  }
0x6c: {  	_ =	shalt  }
0x6d: {  	_ =	shalt  }
0x6e: {  	_ =	shalt  }
0x6f: {  	_ =	shalt  }
0x70: {  	_ =	shalt  }
0x71: {  	_ =	shalt  }
0x72: {  	_ =	shalt  }
0x73: {  	_ =	shalt  }
0x74: {  	_ =	shalt  }
0x75: {  	_ =	shalt  }
0x76: {  	_ =	shalt  }
0x77: {  	_ =	shalt  }
0x78: {  	_ =	shalt  }
0x79: {  	_ =	shalt  }
0x7a: {  	_ =	shalt  }
0x7b: {  	_ =	shalt  }
0x7c: {  	_ =	shalt  }
0x7d: {  	_ =	shalt  }
0x7e: {  	_ =	shalt  }
0x7f: {  	_ =	shalt  }
0x80: {  	_ =	shalt  }
0x81: {  	_ =	shalt  }
0x82: {  	_ =	shalt  }
0x83: {  	_ =	shalt  }
0x84: {  	_ =	shalt  }
0x85: {  	_ =	shalt  }
0x86: {  	_ =	shalt  }
0x87: {  	_ =	shalt  }
.Lfunc_end0:
.L_simem_size_0:
called_computation_lowered:
.L_overlay_start_0:
0x88: {  	s2 =	sld [smem:$0x3FD9]  }
0x89: {  	s3 =	sld [smem:$0x3FFE];
	_ =	sdelay $0x1  }
0x8a: {  	s1 =	srdreg.scid  }
0x8b: {  	s0 =	sand.u32 $0x1, s1  }
0x8c: {  	s16 =	sshll.u32 s0, $0xA;
	s2 =	sadd.s32 s3, s2  }
0x8d: {  	s2 =	sadd.s32 s2, s16  }
0x8e: {  	[smem:$0x3FC6] =	sst s2  }
0x8f: {  	_ = 	snop  }
0x90: {  	(tm) =	ssettm $0x1  }
0x91: {  	s17 =	sld [smem:$0x3FFB];
	_ =	sdelay $0x3  }
0x92: {  	_ =	strace s17  }
0x93: {  	s2 =	sld [smem:$0x3FFC];
	_ =	sdelay $0x3  }
0x94: {  	_ =	strace s2  }
0x95: {  	s2 =	sld [smem:$0x3FFD];
	_ =	sdelay $0x3  }
0x96: {  	_ =	strace s2  }
0x97: {  	_ =	strace $0x8FFFFFFF  }
0x98: {  	s18 =	sld [smem:$0x3FDB];
	_ =	sdelay $0x1  }
0x99: {  	s19 =	simm.s32 $_scs_section_size  }
0x9a: {  	s4 =	simm.s32 $_size__tile_overlayer_lowered;
	s5 =	simm.s32 $_tile_overlayer_lowered  }
0x9b: {  	s22 =	simm.s32 $0x1BFF;
	s21 =	sshll.u32 s5, $0x1;
	s2 =	sadd.s32 s19, s18  }
0x9c: {  	s6 =	simm.s32 $0x0;
	s20 =	sshll.u32 s4, $0x1;
	s4 =	sadd.s32 s21, s2  }
0x9d: {  	[timem:s6], [sflag:s22] =	dma.local [hbm:s4], s20  }
0x9e: {  	_ =	swait.ge [sflag:s22], s20  }
0x9f: {  	s3 =	ssub.s32 $0x0, s20;
	[sflag:s22] =	ssyncset.done $0x0  }
0xa0: {  	[sflag:s22] =	ssyncadd.s32 s3;
	_ =	sdelay $0x1  }
0xa1: {  	s23 =	simm.s32 $0x1B8B  }
0xa2: {  	_ =	swait.ge [sflag:s23], $0x1  }
0xa3: {  	[sflag:s23] =	ssyncset.done $0x0  }
0xa4: {  	s25 =	simm.s32 $0x1B8E;
	s24 =	sld [smem:$0x3FFE];
	[sflag:s23] =	ssyncadd.s32 $0xFFFFFFFF  }
0xa5: {  	s26 =	simm.s32 $execute0_lowered;
	[smem:$0x3FD2] =	sst s25  }
0xa6: {  	s4 =	sshll.u32 s26, $0x1;
	_ =	strace $0x80000046;
	[dreg:$0x1] =	wrdreg $0xFFFFFFFF  }
0xa7: {  	s28 =	simm.s32 $_size_execute0_lowered;
	s2 =	sadd.s32 s2, s4;
	[dreg:$0x0] =	wrdreg $0x0  }
0xa8: {  	s4 =	sshll.u32 s28, $0x1;
	[dreg:$0x2] =	wrdreg s2  }
0xa9: {  	[dreg:$0x3] =	wrdreg s4  }
0xaa: {  	[dreg:$0x4] =	wrdreg $0xC0  }
0xab: {  	_ =	task [dreg:s6], $0x5FFFF  }
0xac: {  	[dreg:$0x1] =	wrdreg $0xFFFFFFFF  }
0xad: {  	[dreg:$0x0] =	wrdreg $0x60  }
0xae: {  	[dreg:$0x2] =	wrdreg s24  }
0xaf: {  	[dreg:$0x3] =	wrdreg $0x9  }
0xb0: {  	_ =	task.clear_ibuf [dreg:s6], $0x4FFFF;
	_ =	strace $0x90000046  }
0xb1: {  	s29 =	simm.s32 $0x9;
	_ =	strace $0x80000048  }
0xb2: {  	_ =	swait.ge [sflag:s29], $0x1  }
0xb3: {  	[sflag:s29] =	ssyncadd.s32 $0xFFFFFFFF  }
0xb4: {  	_ =	strace $0x90000048  }
0xb5: {  	_ =	sfence  }
0xb6: {  	s30 =	sld [smem:$0x0];
	_ =	sdelay $0x2  }
0xb7: {  	s31 =	sshll.u32 s1, $0xD;
	s1 =	sshrl.u32 s1, $0x2  }
0xb8: {  	s3 =	sand.u32 $0x4000, s31;
	s1 =	sadd.s32 s1, s30  }
0xb9: {  	s0 =	sor.u32 s3, s0;
	s1 =	sshll.u32 s1, $0x11  }
0xba: {  	s0 =	sor.u32 s1, s0  }
0xbb: {  	s0 =	sadd.s32 $0x8F2B, s0  }
0xbc: {  	[sflag:s0] =	ssyncadd.remote.s32 $0x1  }
0xbd: {  	_ =	sfence.sel $0xFFFF  }
0xbe: {  	[dreg:$0x0] =	wrdreg $0xFFFFFFFF;
	(pc) =	sbr.abs _section_cstart, $3  }
0xbf: {  	[dreg:$0x1] =	wrdreg $0xFFFFFFFF  }
0xc0: {  	_ =	task.clear_ibuf [dreg:s6], $0x2FFFF;
	_ =	strace $0x9FFFFFFF  }
0xc1: {  	(tm) =	ssettm $0x7FFFFFFF  }
tec
execute0_lowered:
.L_overlay_start_1:
0x0: {  	(tag) =	ssettag $0x1  }
0x1: {  	s1 =	srdreg.scid  }
0x2: {  	s0 =	stileid.u32;
	s4 =	rddreg [dreg:$0x0];
	s2 =	simm.s32 $0x0  }
0x3: {  	s8 =	simm.s32 $0x80;
	s9 =	simm.s32 $0x400;
	s10 =	simm.s32 $0xFC80  }
0x4: {  	s11 =	simm.s32 $0x2;
	s3 =	sand.u32 $0x1, s1;
	s1 =	rddreg [dreg:$0x1]  }
0x5: {  	s12 =	simm.s32 $0x0;
	s30 =	sshll.u32 s0, $0x1;
	[smem:$0x7FF] =	sst s2  }
0x6: {  	s7 =	sshll.u32 s0, $0x9;
	s5 =	sor.u32 s3, s30;
	_ =	strace $0x80000047  }
0x7: {  	s3 =	ssub.s32 $0x2, s3;
	s6 =	smul.u32 $0xF80, s5;
	s5 =	sshll.u32 s5, $0x4  }
0x8: {  	s7 =	sand.u32 $0x1800, s7;
	s31 =	sshrl.u32 s3, $0x1;
	s5 =	sand.u32 $0x70, s5  }
0x9: {  	s6 =	sadd.s32 s6, s4;
	s4 =	sadd.s32 s7, s4;
	s7 =	ssub.s32 s3, s31  }
0xa: {  	s3 =	sadd.s32 $0xC00, s6;
	s4 =	sadd.s32 s5, s4;
	s5 =	smax.u32 s7, $0x1  }
0xb: {  	v0 =	vimm.f32 $0.0e+00;
	v1 =	vimm.f32 $1.000000000e+00;
	s6 =	simm.s32 $0x1;
	s7 =	simm.s32 $0x7C00;
	s4 =	sadd.s32 $0x1FC00, s4  }
.LBB2_1:
0xc: {  	[tilespmem:s2], [sflag:$0x1] =	stream.linear.gather [hbm4b:s3+s2], $0x7C00, $0x38;
	[tilespmem:$0x10480] =	vst v63  }
0xd: {  	s13 =	simm.s32 $0x0;
	s14 =	simm.s32 $0x200  }
.LBB2_2:
0xe: {  	p0 =	sne.s32 s14, $0x20000;
	[tilespmem:s13+$0x7C70] =	vst v0  }
0xf: {  	[tilespmem:s13+$0x7C00] =	vst v0  }
0x10: {  	[tilespmem:s13+$0x7C10] =	vst v0  }
.Ltmp0:
0x11: {  	[tilespmem:s13+$0x7C20] =	vst v0;
	(pc) =	sbr.rel @p0 .LBB2_2-.Ltmp0, $4  }
0x12: {  	[tilespmem:s13+$0x7C30] =	vst v0  }
0x13: {  	[tilespmem:s13+$0x7C40] =	vst v0  }
0x14: {  	[tilespmem:s13+$0x7C50] =	vst v0  }
0x15: {  	[tilespmem:s13+$0x7C60] =	vst v0;
	s13 =	sshra.s32 s14, $0x2;
	s14 =	sadd.s32 $0x200, s14  }
0x16: {  	[tilespmem:s13+$0x7C70] =	vst v0  }
0x17: {  	[tilespmem:s13+$0x7C00] =	vst v0  }
0x18: {  	[tilespmem:s13+$0x7C10] =	vst v0  }
0x19: {  	[tilespmem:s13+$0x7C20] =	vst v0  }
0x1a: {  	[tilespmem:s13+$0x7C30] =	vst v0  }
0x1b: {  	[tilespmem:s13+$0x7C40] =	vst v0  }
0x1c: {  	[tilespmem:s13+$0x7C50] =	vst v0  }
0x1d: {  	[tilespmem:s13+$0x7C60] =	vst v0  }
0x1e: {  	_ =	swait.ge [sflag:s6], $0x7C00  }
0x1f: {  	[sflag:s6] =	ssyncset.done $0x0  }
0x20: {  	s13 =	simm.s32 $0x0;
	s14 =	simm.s32 $0xF0;
	[sflag:s6] =	ssyncadd.s32 $0xFFFF8400  }
.LBB2_4:
0x21: {  	v2 =	vld [tilespmem:s14+$0xFFFFFF10];
	_ =	sdelay $0x7  }
0x22: {  	[tilespmem:v2+s7+$0x0] =	vst.idx.add.f32.msk $0xffff, v1  }
0x23: {  	v2 =	vld [tilespmem:s14+$0xFFFFFF20];
	_ =	sdelay $0x7  }
0x24: {  	[tilespmem:v2+s7+$0x0] =	vst.idx.add.f32.msk $0xffff, v1  }
0x25: {  	v2 =	vld [tilespmem:s14+$0xFFFFFF30];
	_ =	sdelay $0x7  }
0x26: {  	[tilespmem:v2+s7+$0x0] =	vst.idx.add.f32.msk $0xffff, v1  }
0x27: {  	v2 =	vld [tilespmem:s14+$0xFFFFFF40];
	_ =	sdelay $0x7  }
0x28: {  	[tilespmem:v2+s7+$0x0] =	vst.idx.add.f32.msk $0xffff, v1  }
0x29: {  	v2 =	vld [tilespmem:s14+$0xFFFFFF50];
	_ =	sdelay $0x7  }
0x2a: {  	[tilespmem:v2+s7+$0x0] =	vst.idx.add.f32.msk $0xffff, v1  }
0x2b: {  	v2 =	vld [tilespmem:s14+$0xFFFFFF60];
	_ =	sdelay $0x7  }
0x2c: {  	[tilespmem:v2+s7+$0x0] =	vst.idx.add.f32.msk $0xffff, v1  }
0x2d: {  	v2 =	vld [tilespmem:s14+$0xFFFFFF70];
	_ =	sdelay $0x7  }
0x2e: {  	[tilespmem:v2+s7+$0x0] =	vst.idx.add.f32.msk $0xffff, v1  }
0x2f: {  	v2 =	vld [tilespmem:s14+$0xFFFFFF80];
	_ =	sdelay $0x7  }
0x30: {  	s15 =	sand.u32 $0x7FF0, s13;
	[tilespmem:v2+s7+$0x0] =	vst.idx.add.f32.msk $0xffff, v1  }
0x31: {  	v2 =	vld [tilespmem:s15+$0x80];
	_ =	sdelay $0x7  }
0x32: {  	[tilespmem:v2+s7+$0x0] =	vst.idx.add.f32.msk $0xffff, v1  }
0x33: {  	v2 =	vld [tilespmem:s14+$0xFFFFFFA0];
	_ =	sdelay $0x7  }
0x34: {  	[tilespmem:v2+s7+$0x0] =	vst.idx.add.f32.msk $0xffff, v1  }
0x35: {  	v2 =	vld [tilespmem:s14+$0xFFFFFFB0];
	_ =	sdelay $0x7  }
0x36: {  	[tilespmem:v2+s7+$0x0] =	vst.idx.add.f32.msk $0xffff, v1  }
0x37: {  	v2 =	vld [tilespmem:s14+$0xFFFFFFC0];
	_ =	sdelay $0x7  }
0x38: {  	[tilespmem:v2+s7+$0x0] =	vst.idx.add.f32.msk $0xffff, v1  }
0x39: {  	v2 =	vld [tilespmem:s14+$0xFFFFFFD0];
	_ =	sdelay $0x7  }
0x3a: {  	[tilespmem:v2+s7+$0x0] =	vst.idx.add.f32.msk $0xffff, v1  }
0x3b: {  	v2 =	vld [tilespmem:s14+$0xFFFFFFE0];
	_ =	sdelay $0x7  }
0x3c: {  	[tilespmem:v2+s7+$0x0] =	vst.idx.add.f32.msk $0xffff, v1  }
0x3d: {  	v2 =	vld [tilespmem:s14+$0xFFFFFFF0];
	_ =	sdelay $0x7  }
0x3e: {  	[tilespmem:v2+s7+$0x0] =	vst.idx.add.f32.msk $0xffff, v1  }
0x3f: {  	v2 =	vld [tilespmem:s14+$0x0];
	_ =	sdelay $0x7  }
0x40: {  	[tilespmem:v2+s7+$0x0] =	vst.idx.add.f32.msk $0xffff, v1  }
0x41: {  	v2 =	vld [tilespmem:s15+$0x100];
	_ =	sdelay $0x7  }
0x42: {  	[tilespmem:v2+s7+$0x0] =	vst.idx.add.f32.msk $0xffff, v1  }
0x43: {  	v2 =	vld [tilespmem:s14+$0x20];
	_ =	sdelay $0x7  }
0x44: {  	[tilespmem:v2+s7+$0x0] =	vst.idx.add.f32.msk $0xffff, v1  }
0x45: {  	v2 =	vld [tilespmem:s14+$0x30];
	_ =	sdelay $0x7  }
0x46: {  	[tilespmem:v2+s7+$0x0] =	vst.idx.add.f32.msk $0xffff, v1  }
0x47: {  	v2 =	vld [tilespmem:s14+$0x40];
	_ =	sdelay $0x7  }
0x48: {  	[tilespmem:v2+s7+$0x0] =	vst.idx.add.f32.msk $0xffff, v1  }
0x49: {  	v2 =	vld [tilespmem:s14+$0x50];
	_ =	sdelay $0x7  }
0x4a: {  	[tilespmem:v2+s7+$0x0] =	vst.idx.add.f32.msk $0xffff, v1  }
0x4b: {  	v2 =	vld [tilespmem:s14+$0x60];
	_ =	sdelay $0x7  }
0x4c: {  	[tilespmem:v2+s7+$0x0] =	vst.idx.add.f32.msk $0xffff, v1  }
0x4d: {  	v2 =	vld [tilespmem:s14+$0x70];
	_ =	sdelay $0x7  }
0x4e: {  	[tilespmem:v2+s7+$0x0] =	vst.idx.add.f32.msk $0xffff, v1  }
0x4f: {  	v2 =	vld [tilespmem:s14+$0x80];
	_ =	sdelay $0x7  }
0x50: {  	[tilespmem:v2+s7+$0x0] =	vst.idx.add.f32.msk $0xffff, v1  }
0x51: {  	v2 =	vld [tilespmem:s15+$0x180];
	_ =	sdelay $0x7  }
0x52: {  	[tilespmem:v2+s7+$0x0] =	vst.idx.add.f32.msk $0xffff, v1  }
0x53: {  	v2 =	vld [tilespmem:s14+$0xA0];
	_ =	sdelay $0x7  }
0x54: {  	[tilespmem:v2+s7+$0x0] =	vst.idx.add.f32.msk $0xffff, v1  }
0x55: {  	v2 =	vld [tilespmem:s14+$0xB0];
	_ =	sdelay $0x7  }
0x56: {  	[tilespmem:v2+s7+$0x0] =	vst.idx.add.f32.msk $0xffff, v1  }
0x57: {  	v2 =	vld [tilespmem:s14+$0xC0];
	_ =	sdelay $0x7  }
0x58: {  	[tilespmem:v2+s7+$0x0] =	vst.idx.add.f32.msk $0xffff, v1  }
0x59: {  	v2 =	vld [tilespmem:s14+$0xD0];
	_ =	sdelay $0x7  }
0x5a: {  	[tilespmem:v2+s7+$0x0] =	vst.idx.add.f32.msk $0xffff, v1  }
0x5b: {  	v2 =	vld [tilespmem:s14+$0xE0];
	_ =	sdelay $0x7  }
0x5c: {  	[tilespmem:v2+s7+$0x0] =	vst.idx.add.f32.msk $0xffff, v1  }
0x5d: {  	v2 =	vld [tilespmem:s14+$0xF0];
	_ =	sdelay $0x2  }
0x5e: {  	p0 =	sne.s32 s13, $0x7A10  }
.Ltmp1:
0x5f: {  	_ = 	snop;
	(pc) =	sbr.rel @p0 .LBB2_4-.Ltmp1, $2  }
0x60: {  	_ =	sdelay $0x2  }
0x61: {  	s13 =	sadd.s32 $0x1F0, s13;
	s14 =	sadd.s32 $0x1F0, s14;
	[tilespmem:v2+s7+$0x0] =	vst.idx.add.f32.msk $0xffff, v1  }
0x62: {  	s14 =	simm.s32 $0x0  }
0x63: {  	v2 =	vld [tilespmem:s14+$0x7C00]  }
0x64: {  	v3 =	vld [tilespmem:s14+$0x8401];
	_ =	sdelay $0x1  }
0x65: {  	v4 =	vld [tilespmem:s14+$0x8C02];
	_ =	sdelay $0x1  }
0x66: {  	v5 =	vld [tilespmem:s14+$0x9403]  }
0x67: {  	v2 =	vadd.f32 v3, v2  }
0x68: {  	v3 =	vld [tilespmem:s14+$0x9C04]  }
0x69: {  	v2 =	vadd.f32 v4, v2  }
0x6a: {  	v4 =	vld [tilespmem:s14+$0xA405]  }
0x6b: {  	v2 =	vadd.f32 v5, v2  }
0x6c: {  	v5 =	vld [tilespmem:s14+$0xAC06]  }
0x6d: {  	v2 =	vadd.f32 v3, v2  }
0x6e: {  	v3 =	vld [tilespmem:s14+$0xB407]  }
0x6f: {  	s13 =	simm.s32 $0x10;
	v6 =	vld [tilespmem:s14+$0xBC08];
	v2 =	vadd.f32 v4, v2  }
0x70: {  	v7 =	vld [tilespmem:s13+$0x7C00]  }
0x71: {  	v4 =	vld [tilespmem:s14+$0xC409];
	v2 =	vadd.f32 v5, v2  }
0x72: {  	v5 =	vld [tilespmem:s13+$0x8401]  }
0x73: {  	v8 =	vld [tilespmem:s13+$0x8C02];
	v2 =	vadd.f32 v3, v2  }
0x74: {  	v3 =	vld [tilespmem:s14+$0xCC0A]  }
0x75: {  	v9 =	vld [tilespmem:s13+$0x9403];
	v2 =	vadd.f32 v6, v2  }
0x76: {  	v6 =	vld [tilespmem:s14+$0xD40B]  }
0x77: {  	v5 =	vadd.f32 v5, v7;
	v7 =	vld [tilespmem:s13+$0x9C04];
	v2 =	vadd.f32 v4, v2  }
0x78: {  	v4 =	vld [tilespmem:s14+$0xDC0C]  }
0x79: {  	v5 =	vadd.f32 v8, v5;
	v8 =	vld [tilespmem:s13+$0xA405];
	v2 =	vadd.f32 v3, v2  }
0x7a: {  	v3 =	vld [tilespmem:s14+$0xE40D]  }
0x7b: {  	v10 =	vld [tilespmem:s13+$0xAC06];
	v5 =	vadd.f32 v9, v5;
	v2 =	vadd.f32 v6, v2  }
0x7c: {  	v9 =	vld [tilespmem:s14+$0xEC0E]  }
0x7d: {  	v6 =	vadd.f32 v7, v5;
	v5 =	vld [tilespmem:s13+$0xB407];
	v7 =	vadd.f32 v4, v2  }
0x7e: {  	v4 =	vld [tilespmem:s14+$0xF40F]  }
0x7f: {  	v2 =	vld [tilespmem:s13+$0xC409];
	v8 =	vadd.f32 v8, v6;
	v11 =	vadd.f32 v3, v7  }
0x80: {  	s15 =	simm.s32 $0x20;
	v6 =	vld [tilespmem:s13+$0xBC08]  }
0x81: {  	s16 =	simm.s32 $0xC0;
	v3 =	vld [tilespmem:s15+$0x7C00];
	v7 =	vadd.f32 v10, v8;
	v8 =	vadd.f32 v9, v11  }
.LBB2_6:
0x82: {  	p0 =	sne.s32 s16, $0x1FC0;
	v9 =	vld [tilespmem:s15+$0x8401]  }
0x83: {  	v5 =	vadd.f32 v5, v7;
	v7 =	vld [tilespmem:s13+$0xCC0A];
	v4 =	vadd.f32 v4, v8  }
0x84: {  	v8 =	vld [tilespmem:s15+$0x8C02]  }
0x85: {  	v5 =	vadd.f32 v6, v5;
	v6 =	vld [tilespmem:s13+$0xD40B];
	[tilespmem:s14+$0xFC80] =	vst v4;
	s14 =	smov.u32 s13;
	s13 =	smov.u32 s15  }
0x86: {  	v4 =	vld [tilespmem:s13+$0x9403]  }
0x87: {  	v3 =	vadd.f32 v9, v3;
	v2 =	vadd.f32 v2, v5;
	v5 =	vld [tilespmem:s14+$0xDC0C]  }
0x88: {  	v9 =	vld [tilespmem:s13+$0x9C04]  }
0x89: {  	v3 =	vadd.f32 v8, v3;
	v2 =	vadd.f32 v7, v2;
	v7 =	vld [tilespmem:s14+$0xE40D]  }
0x8a: {  	v8 =	vld [tilespmem:s13+$0xA405]  }
0x8b: {  	v3 =	vadd.f32 v4, v3;
	v2 =	vadd.f32 v6, v2;
	v10 =	vld [tilespmem:s14+$0xEC0E]  }
0x8c: {  	v11 =	vld [tilespmem:s13+$0xAC06]  }
.Ltmp2:
0x8d: {  	v3 =	vadd.f32 v9, v3;
	v6 =	vadd.f32 v5, v2;
	v4 =	vld [tilespmem:s14+$0xF40F];
	(pc) =	sbr.rel @p0 .LBB2_6-.Ltmp2, $4  }
0x8e: {  	v5 =	vld [tilespmem:s13+$0xB407]  }
0x8f: {  	v8 =	vadd.f32 v8, v3;
	v2 =	vld [tilespmem:s13+$0xC409];
	v9 =	vadd.f32 v7, v6  }
0x90: {  	s15 =	sshra.s32 s16, $0x2;
	v6 =	vld [tilespmem:s13+$0xBC08]  }
0x91: {  	s16 =	sadd.s32 $0x40, s16;
	v3 =	vld [tilespmem:s15+$0x7C00];
	v7 =	vadd.f32 v11, v8;
	v8 =	vadd.f32 v10, v9  }
0x92: {  	v9 =	vld [tilespmem:s15+$0x8401]  }
0x93: {  	v10 =	vld [tilespmem:s13+$0xCC0A];
	v4 =	vadd.f32 v4, v8  }
0x94: {  	v49 =	vld [tilespmem:s15+$0x8C02]  }
0x95: {  	v11 =	vld [tilespmem:s13+$0xD40B];
	v5 =	vadd.f32 v5, v7;
	[tilespmem:s14+$0xFC80] =	vst v4  }
0x96: {  	v4 =	vld [tilespmem:s15+$0x9403]  }
0x97: {  	v5 =	vadd.f32 v6, v5;
	v3 =	vadd.f32 v9, v3  }
0x98: {  	v50 =	vld [tilespmem:s15+$0x9C04]  }
0x99: {  	v51 =	vld [tilespmem:s13+$0xDC0C];
	v2 =	vadd.f32 v2, v5;
	v3 =	vadd.f32 v49, v3  }
0x9a: {  	v52 =	vld [tilespmem:s15+$0xA405]  }
0x9b: {  	v53 =	vld [tilespmem:s13+$0xE40D];
	v2 =	vadd.f32 v10, v2;
	v3 =	vadd.f32 v4, v3  }
0x9c: {  	v54 =	vld [tilespmem:s15+$0xAC06]  }
0x9d: {  	v55 =	vld [tilespmem:s13+$0xEC0E];
	v2 =	vadd.f32 v11, v2;
	v3 =	vadd.f32 v50, v3  }
0x9e: {  	v56 =	vld [tilespmem:s15+$0xB407]  }
0x9f: {  	v57 =	vld [tilespmem:s13+$0xF40F];
	v2 =	vadd.f32 v51, v2;
	v3 =	vadd.f32 v52, v3  }
0xa0: {  	v58 =	vld [tilespmem:s15+$0xBC08]  }
0xa1: {  	v2 =	vadd.f32 v53, v2;
	v3 =	vadd.f32 v54, v3  }
0xa2: {  	v59 =	vld [tilespmem:s15+$0xC409]  }
0xa3: {  	v2 =	vadd.f32 v55, v2;
	v3 =	vadd.f32 v56, v3  }
0xa4: {  	v60 =	vld [tilespmem:s15+$0xCC0A]  }
0xa5: {  	v2 =	vadd.f32 v57, v2;
	v3 =	vadd.f32 v58, v3  }
0xa6: {  	v61 =	vld [tilespmem:s15+$0xD40B]  }
0xa7: {  	[tilespmem:s13+$0xFC80] =	vst v2;
	v2 =	vadd.f32 v59, v3  }
0xa8: {  	v3 =	vld [tilespmem:s15+$0xDC0C]  }
0xa9: {  	v2 =	vadd.f32 v60, v2  }
0xaa: {  	v62 =	vld [tilespmem:s15+$0xE40D]  }
0xab: {  	v2 =	vadd.f32 v61, v2  }
0xac: {  	v63 =	vld [tilespmem:s15+$0xEC0E]  }
0xad: {  	v2 =	vadd.f32 v3, v2  }
0xae: {  	v3 =	vld [tilespmem:s15+$0xF40F]  }
0xaf: {  	v2 =	vadd.f32 v62, v2;
	_ =	sdelay $0x1  }
0xb0: {  	v2 =	vadd.f32 v63, v2;
	_ =	sdelay $0x1  }
0xb1: {  	s12 =	sadd.s32 $0x1, s12;
	v2 =	vadd.f32 v3, v2  }
0xb2: {  	p0 =	sne.s32 s12, s5  }
.Ltmp3:
0xb3: {  	[tilespmem:s15+$0xFC80] =	vst v2;
	(pc) =	sbr.rel @p0 .LBB2_1-.Ltmp3, $4  }
0xb4: {  	[hbm4b:s4+s8] =	stream.strided.scatter [tilespmem:s10], [sflag:$0x2], $0x800, s9, s8, $0x38;
	[tilespmem:$0x10480] =	vst v63  }
0xb5: {  	_ =	swait.ge [sflag:s11], $0x800  }
0xb6: {  	[sflag:s11] =	ssyncset.done $0x0  }
0xb7: {  	[sflag:s11] =	ssyncadd.s32 $0xFFFFF800  }
0xb8: {  	_ =	sfence.sel $0x180000  }
0xb9: {  	[bflag:$0x0] =	sbarrier.arrive $0xFFFF  }
0xba: {  	p0 =	sne.s32 s0, $0x0;
	_ =	strace $0x90000047  }
0xbb: {  	s0 =	sadd.s32 @!p0 $0x100000, s1;
	[bflag:$0x2] =	sbarrier.arrive $0xFFFF  }
0xbc: {  	[sflag:s0] =	ssyncadd.tile.s32 @!p0 $0x1;
	_ =	shalt  }
.Lfunc_end2:
_tile_overlayer_lowered:
.L_overlay_start_2:
0xbd: {  	(tag) =	ssettag $0x2  }
0xbe: {  	s0 =	rddreg [dreg:$0x0];
	s2 =	stileid.u32  }
0xbf: {  	s1 =	rddreg [dreg:$0x1];
	p0 =	sne.s32 s2, $0x0  }
0xc0: {  	s3 =	rddreg [dreg:$0x2];
	[bflag:$0x3] =	sbarrier.arrive $0xFFFF;
	s2 =	simm.s32 @!p0 $0x1C02  }
0xc1: {  	[timem:s3], [sflag:s2] =	dma.local @!p0 [hbm:s0], s1  }
0xc2: {  	s0 =	simm.s32 @!p0 $0x2  }
0xc3: {  	_ =	swait.ge @!p0 [sflag:s0], s1  }
0xc4: {  	s1 =	ssub.s32 @!p0 $0x0, s1;
	[sflag:s0] =	ssyncset.done @!p0 $0x0  }
0xc5: {  	[sflag:s0] =	ssyncadd.s32 @!p0 s1  }
0xc6: {  	[bflag:$0x3] =	sbarrier.arrive $0xFFFF  }
0xc7: {  	_ =	shalt  }

</sc_bundles>
